<compile_context>
chip_gen: v7x
topology: tpu7x:2x2x1
jax: 0.10.2.dev20260603
libtpu: 0.0.44.dev20260713+nightly
codegen_flags: <defaults>
</compile_context>

<pallas_src>
import jax
import jax.numpy as jnp
from jax import lax
from jax.experimental import pallas as pl
from jax.experimental.pallas import tpu as pltpu
from jax.experimental.pallas import tpu_sc as plsc

_K = 5
_L = 16
_GATHER_WORKERS = 8


def _sc_gather_body(pred_hbm, gt_hbm, v_hbm, gt_v, win_v, out_v, sem):
    lanes = lax.iota(jnp.int32, _L)
    wid = lax.axis_index("s") * 2 + lax.axis_index("c")

    @pl.when(wid < _GATHER_WORKERS)
    def _():
        base = wid * _L
        pltpu.async_copy(gt_hbm.at[pl.ds(base, _L)], gt_v, sem).wait()
        gvec = gt_v[...]
        copies = []
        for j in range(_L):
            g = jnp.sum(jnp.where(lanes == j, gvec, 0))
            start = (g // _L) * _L
            copies.append(
                pltpu.make_async_copy(
                    pred_hbm.at[base + j, pl.ds(start, _L)],
                    win_v.at[pl.ds(j * _L, _L)],
                    sem,
                )
            )
        for c in copies:
            c.start()
        for c in copies:
            c.wait()
        acc = jnp.zeros((_L,), jnp.float32)
        for j in range(_L):
            g = jnp.sum(jnp.where(lanes == j, gvec, 0))
            win = win_v[pl.ds(j * _L, _L)]
            val = jnp.sum(jnp.where(lanes == g % _L, win, 0.0))
            acc = acc + jnp.where(lanes == j, val, 0.0)
        out_v[...] = acc
        pltpu.async_copy(out_v, v_hbm.at[pl.ds(base, _L)], sem).wait()


def _make_sc_gather(b):
    mesh = plsc.VectorSubcoreMesh(core_axis_name="c", subcore_axis_name="s")
    cp = pltpu.CompilerParams(use_tc_tiling_on_sc=True,
                              needs_layout_passes=False)
    return pl.kernel(
        _sc_gather_body,
        out_type=jax.ShapeDtypeStruct((b,), jnp.float32),
        mesh=mesh,
        scratch_types=[
            pltpu.VMEM((_L,), jnp.int32),
            pltpu.VMEM((_L * _L,), jnp.float32),
            pltpu.VMEM((_L,), jnp.float32),
            pltpu.SemaphoreType.DMA,
        ],
        compiler_params=cp,
    )


def _acc_body(gt_ref, v_ref, pred_ref, out_ref):
    i = pl.program_id(0)
    pred = pred_ref[...]
    g = gt_ref[...]
    v = v_ref[...]
    rb, n = pred.shape
    cnt_gt = jnp.sum((pred > v).astype(jnp.int32), axis=1)
    cnt_eq = jnp.sum((pred == v).astype(jnp.int32), axis=1)

    @pl.when(i == 0)
    def _():
        out_ref[...] = jnp.zeros((1, 1), jnp.float32)

    ambiguous = jnp.any((cnt_gt < _K) & (cnt_gt + cnt_eq - 1 >= _K))

    @pl.when(jnp.logical_not(ambiguous))
    def _():
        part = jnp.sum((cnt_gt < _K).astype(jnp.float32)).reshape(1, 1)
        out_ref[...] += part

    @pl.when(ambiguous)
    def _():
        col = jax.lax.broadcasted_iota(jnp.int32, (rb, n), 1)
        cnt_eq_low = jnp.sum(((pred == v) & (col < g)).astype(jnp.int32),
                             axis=1)
        part = jnp.sum(((cnt_gt + cnt_eq_low) < _K)
                       .astype(jnp.float32)).reshape(1, 1)
        out_ref[...] += part


def kernel(pred, gt):
    b, n = pred.shape
    v = _make_sc_gather(b)(pred, gt)
    rb = 16
    grid = (b // rb,)
    out = pl.pallas_call(
        _acc_body,
        grid=grid,
        in_specs=[
            pl.BlockSpec((rb, 1), lambda i: (i, 0)),
            pl.BlockSpec((rb, 1), lambda i: (i, 0)),
            pl.BlockSpec((rb, n), lambda i: (i, 0)),
        ],
        out_specs=pl.BlockSpec((1, 1), lambda i: (0, 0)),
        out_shape=jax.ShapeDtypeStruct((1, 1), jnp.float32),
    )(gt.reshape(b, 1), v.reshape(b, 1), pred)
    return out[0, 0] / b

# --- scband reference (transcript-rebuilt; emitter-appended) ---
"""Pipeline reference for scband-top-kaccuracy-8289286881663 (READ-ONLY COPY).

The authoritative reference and input builder live on the scoring server;
editing this copy changes nothing except your own understanding.
"""

import jax, jax.numpy as jnp
import numpy as np

K = 5  # must be 5: original module hardcodes repeat(1, 5)

def setup_inputs(seed: int = 0) -> dict:
    key = jax.random.key(seed)
    k1, k2 = jax.random.split(key)
    pred = jax.random.normal(k1, (128, 32768), dtype=jnp.float32)
    gt = jax.random.randint(k2, (128,), 0, 32768).astype(jnp.int32)
    return {"pred": pred, "gt": gt}

def reference(pred, gt):
    b = pred.shape[0]
    # torch.topk(pred, k=K, dim=1) -> indices
    _, topk_idx = jax.lax.top_k(pred, K)
    # torch.eq(topk, gt.unsqueeze(1).repeat(1, 5)) == broadcasted equality
    corr = (topk_idx == gt[:, None].astype(topk_idx.dtype))
    acc = jnp.sum(corr).astype(jnp.float32) / b
    return acc

if __name__ == "__main__":
    import jax
    _d = setup_inputs()
    print(jax.jit(kernel)(*tuple(_d.values())))

</pallas_src>

<mosaic_0001>
#map = affine_map<(d0, d1) -> (0, 0)>
#map1 = affine_map<(d0, d1) -> (0)>
module attributes {stable_mosaic.version = 14 : i64} {
  func.func @_sc_gather_body(%arg0: i32, %arg1: i32, %arg2: memref<128x32768xf32, #tpu.memory_space<hbm>>, %arg3: memref<128xi32, #tpu.memory_space<hbm>>, %arg4: memref<128xf32, #tpu.memory_space<hbm>>, %arg5: memref<16xi32, #tpu.memory_space<vmem>>, %arg6: memref<256xf32, #tpu.memory_space<vmem>>, %arg7: memref<16xf32, #tpu.memory_space<vmem>>, %arg8: memref<!tpu.dma_semaphore, #tpu.memory_space<semaphore_mem>>) attributes {dimension_semantics = [#tpu.dimension_semantics<core_parallel>, #tpu.dimension_semantics<subcore_parallel>], iteration_bounds = array<i64: 2, 16>, scalar_prefetch = 0 : i64, scratch_operands = 4 : i64, tpu.core_type = #tpu.core_type<sc_vector_subcore>, window_params = [{transform_indices = #map}, {transform_indices = #map1}, {transform_indices = #map1}]} {
    %iota3A = tpu.iota {dimensions = array<i32: 0>} : vector<16xi32>
    %mul3A = arith.constant 2 : i32
    %mul3A_0 = arith.muli %arg1, %mul3A : i32
    %add3A = arith.addi %mul3A_0, %arg0 : i32
    %lt3A = arith.constant 8 : i32
    %lt3A_1 = arith.cmpi slt, %add3A, %lt3A : i32
    %convert_element_type3A = arith.extui %lt3A_1 : i1 to i32
    %cond3A = arith.constant 0 : i32
    %cond3A_2 = arith.cmpi ne, %convert_element_type3A, %cond3A : i32
    scf.if %cond3A_2 {
      %mul3A_3 = arith.constant 16 : i32
      %mul3A_4 = arith.muli %add3A, %mul3A_3 : i32
      %dma_start3A = tpu.memref_slice %arg3[%mul3A_4] : memref<128xi32, #tpu.memory_space<hbm>> -> memref<16xi32, #tpu.memory_space<hbm>>
      %dma_start3A_5 = tpu.memref_slice %arg3[%mul3A_4] : memref<128xi32, #tpu.memory_space<hbm>> -> memref<16xi32, #tpu.memory_space<hbm>>
      tpu.enqueue_dma source(%dma_start3A_5 : memref<16xi32, #tpu.memory_space<hbm>>) target(%arg5 : memref<16xi32, #tpu.memory_space<vmem>>) target_semaphore(%arg8 : memref<!tpu.dma_semaphore, #tpu.memory_space<semaphore_mem>>)
      %dma_wait3A = tpu.memref_slice %arg3[%mul3A_4] : memref<128xi32, #tpu.memory_space<hbm>> -> memref<16xi32, #tpu.memory_space<hbm>>
      %dma_wait3A_6 = tpu.memref_slice %arg3[%mul3A_4] : memref<128xi32, #tpu.memory_space<hbm>> -> memref<16xi32, #tpu.memory_space<hbm>>
      tpu.wait_dma2 semaphore(%arg8 : memref<!tpu.dma_semaphore, #tpu.memory_space<semaphore_mem>>) src(%dma_wait3A_6 : memref<16xi32, #tpu.memory_space<hbm>>) dst(%arg5 : memref<16xi32, #tpu.memory_space<vmem>>)
      %get3A = arith.constant 0 : index
      %get3A_7 = tpu.vector_load %arg5[%get3A] {strides = array<i32>} : memref<16xi32, #tpu.memory_space<vmem>>, vector<16xi32>,
      %eq3A = arith.constant 0 : i32
      %eq3A_8 = vector.broadcast %eq3A : i32 to vector<16xi32>
      %eq3A_9 = arith.cmpi eq, %iota3A, %eq3A_8 : vector<16xi32>
      %jit3A = arith.constant 0 : i32
      %broadcast_in_dim3A = vector.broadcast %jit3A : i32 to vector<16xi32>
      %select_n3A = arith.select %eq3A_9, %get3A_7, %broadcast_in_dim3A : vector<16xi1>, vector<16xi32>
      %reduce_sum3A = arith.constant true
      %reduce_sum3A_10 = vector.broadcast %reduce_sum3A : i1 to vector<16xi1>
      %reduce_sum3A_11 = tpu.scan <sum>, %select_n3A masked %reduce_sum3A_10 : vector<16xi32>, vector<16xi1> -> vector<16xi32>
      %reduce_sum3A_12 = vector.extract %reduce_sum3A_11[15] : i32 from vector<16xi32>
      %jit3A_13 = arith.constant 16 : i32
      %div3A = arith.divsi %reduce_sum3A_12, %jit3A_13 : i32
      %sign3A = arith.constant 0 : i32
      %sign3A_14 = arith.cmpi sgt, %reduce_sum3A_12, %sign3A : i32
      %sign3A_15 = arith.extui %sign3A_14 : i1 to i32
      %sign3A_16 = arith.constant 0 : i32
      %sign3A_17 = arith.cmpi slt, %reduce_sum3A_12, %sign3A_16 : i32
      %sign3A_18 = arith.extui %sign3A_17 : i1 to i32
      %sign3A_19 = arith.subi %sign3A_15, %sign3A_18 : i32
      %sign3A_20 = arith.constant 0 : i32
      %sign3A_21 = arith.cmpi sgt, %jit3A_13, %sign3A_20 : i32
      %sign3A_22 = arith.extui %sign3A_21 : i1 to i32
      %sign3A_23 = arith.constant 0 : i32
      %sign3A_24 = arith.cmpi slt, %jit3A_13, %sign3A_23 : i32
      %sign3A_25 = arith.extui %sign3A_24 : i1 to i32
      %sign3A_26 = arith.subi %sign3A_22, %sign3A_25 : i32
      %ne3A = arith.cmpi ne, %sign3A_19, %sign3A_26 : i32
      %rem3A = arith.remsi %reduce_sum3A_12, %jit3A_13 : i32
      %ne3A_27 = arith.constant 0 : i32
      %ne3A_28 = arith.cmpi ne, %rem3A, %ne3A_27 : i32
      %and3A = arith.andi %ne3A, %ne3A_28 : i1
      %sub3A = arith.constant 1 : i32
      %sub3A_29 = arith.subi %div3A, %sub3A : i32
      %select_n3A_30 = arith.select %and3A, %sub3A_29, %div3A : i32
      %mul3A_31 = arith.constant 16 : i32
      %mul3A_32 = arith.muli %select_n3A_30, %mul3A_31 : i32
      %add3A_33 = arith.constant 0 : i32
      %add3A_34 = arith.addi %mul3A_4, %add3A_33 : i32
      %eq3A_35 = arith.constant 1 : i32
      %eq3A_36 = vector.broadcast %eq3A_35 : i32 to vector<16xi32>
      %eq3A_37 = arith.cmpi eq, %iota3A, %eq3A_36 : vector<16xi32>
      %jit3A_38 = arith.constant 0 : i32
      %broadcast_in_dim3A_39 = vector.broadcast %jit3A_38 : i32 to vector<16xi32>
      %select_n3A_40 = arith.select %eq3A_37, %get3A_7, %broadcast_in_dim3A_39 : vector<16xi1>, vector<16xi32>
      %reduce_sum3A_41 = arith.constant true
      %reduce_sum3A_42 = vector.broadcast %reduce_sum3A_41 : i1 to vector<16xi1>
      %reduce_sum3A_43 = tpu.scan <sum>, %select_n3A_40 masked %reduce_sum3A_42 : vector<16xi32>, vector<16xi1> -> vector<16xi32>
      %reduce_sum3A_44 = vector.extract %reduce_sum3A_43[15] : i32 from vector<16xi32>
      %jit3A_45 = arith.constant 16 : i32
      %div3A_46 = arith.divsi %reduce_sum3A_44, %jit3A_45 : i32
      %sign3A_47 = arith.constant 0 : i32
      %sign3A_48 = arith.cmpi sgt, %reduce_sum3A_44, %sign3A_47 : i32
      %sign3A_49 = arith.extui %sign3A_48 : i1 to i32
      %sign3A_50 = arith.constant 0 : i32
      %sign3A_51 = arith.cmpi slt, %reduce_sum3A_44, %sign3A_50 : i32
      %sign3A_52 = arith.extui %sign3A_51 : i1 to i32
      %sign3A_53 = arith.subi %sign3A_49, %sign3A_52 : i32
      %sign3A_54 = arith.constant 0 : i32
      %sign3A_55 = arith.cmpi sgt, %jit3A_45, %sign3A_54 : i32
      %sign3A_56 = arith.extui %sign3A_55 : i1 to i32
      %sign3A_57 = arith.constant 0 : i32
      %sign3A_58 = arith.cmpi slt, %jit3A_45, %sign3A_57 : i32
      %sign3A_59 = arith.extui %sign3A_58 : i1 to i32
      %sign3A_60 = arith.subi %sign3A_56, %sign3A_59 : i32
      %ne3A_61 = arith.cmpi ne, %sign3A_53, %sign3A_60 : i32
      %rem3A_62 = arith.remsi %reduce_sum3A_44, %jit3A_45 : i32
      %ne3A_63 = arith.constant 0 : i32
      %ne3A_64 = arith.cmpi ne, %rem3A_62, %ne3A_63 : i32
      %and3A_65 = arith.andi %ne3A_61, %ne3A_64 : i1
      %sub3A_66 = arith.constant 1 : i32
      %sub3A_67 = arith.subi %div3A_46, %sub3A_66 : i32
      %select_n3A_68 = arith.select %and3A_65, %sub3A_67, %div3A_46 : i32
      %mul3A_69 = arith.constant 16 : i32
      %mul3A_70 = arith.muli %select_n3A_68, %mul3A_69 : i32
      %add3A_71 = arith.constant 1 : i32
      %add3A_72 = arith.addi %mul3A_4, %add3A_71 : i32
      %eq3A_73 = arith.constant 2 : i32
      %eq3A_74 = vector.broadcast %eq3A_73 : i32 to vector<16xi32>
      %eq3A_75 = arith.cmpi eq, %iota3A, %eq3A_74 : vector<16xi32>
      %jit3A_76 = arith.constant 0 : i32
      %broadcast_in_dim3A_77 = vector.broadcast %jit3A_76 : i32 to vector<16xi32>
      %select_n3A_78 = arith.select %eq3A_75, %get3A_7, %broadcast_in_dim3A_77 : vector<16xi1>, vector<16xi32>
      %reduce_sum3A_79 = arith.constant true
      %reduce_sum3A_80 = vector.broadcast %reduce_sum3A_79 : i1 to vector<16xi1>
      %reduce_sum3A_81 = tpu.scan <sum>, %select_n3A_78 masked %reduce_sum3A_80 : vector<16xi32>, vector<16xi1> -> vector<16xi32>
      %reduce_sum3A_82 = vector.extract %reduce_sum3A_81[15] : i32 from vector<16xi32>
      %jit3A_83 = arith.constant 16 : i32
      %div3A_84 = arith.divsi %reduce_sum3A_82, %jit3A_83 : i32
      %sign3A_85 = arith.constant 0 : i32
      %sign3A_86 = arith.cmpi sgt, %reduce_sum3A_82, %sign3A_85 : i32
      %sign3A_87 = arith.extui %sign3A_86 : i1 to i32
      %sign3A_88 = arith.constant 0 : i32
      %sign3A_89 = arith.cmpi slt, %reduce_sum3A_82, %sign3A_88 : i32
      %sign3A_90 = arith.extui %sign3A_89 : i1 to i32
      %sign3A_91 = arith.subi %sign3A_87, %sign3A_90 : i32
      %sign3A_92 = arith.constant 0 : i32
      %sign3A_93 = arith.cmpi sgt, %jit3A_83, %sign3A_92 : i32
      %sign3A_94 = arith.extui %sign3A_93 : i1 to i32
      %sign3A_95 = arith.constant 0 : i32
      %sign3A_96 = arith.cmpi slt, %jit3A_83, %sign3A_95 : i32
      %sign3A_97 = arith.extui %sign3A_96 : i1 to i32
      %sign3A_98 = arith.subi %sign3A_94, %sign3A_97 : i32
      %ne3A_99 = arith.cmpi ne, %sign3A_91, %sign3A_98 : i32
      %rem3A_100 = arith.remsi %reduce_sum3A_82, %jit3A_83 : i32
      %ne3A_101 = arith.constant 0 : i32
      %ne3A_102 = arith.cmpi ne, %rem3A_100, %ne3A_101 : i32
      %and3A_103 = arith.andi %ne3A_99, %ne3A_102 : i1
      %sub3A_104 = arith.constant 1 : i32
      %sub3A_105 = arith.subi %div3A_84, %sub3A_104 : i32
      %select_n3A_106 = arith.select %and3A_103, %sub3A_105, %div3A_84 : i32
      %mul3A_107 = arith.constant 16 : i32
      %mul3A_108 = arith.muli %select_n3A_106, %mul3A_107 : i32
      %add3A_109 = arith.constant 2 : i32
      %add3A_110 = arith.addi %mul3A_4, %add3A_109 : i32
      %eq3A_111 = arith.constant 3 : i32
      %eq3A_112 = vector.broadcast %eq3A_111 : i32 to vector<16xi32>
      %eq3A_113 = arith.cmpi eq, %iota3A, %eq3A_112 : vector<16xi32>
      %jit3A_114 = arith.constant 0 : i32
      %broadcast_in_dim3A_115 = vector.broadcast %jit3A_114 : i32 to vector<16xi32>
      %select_n3A_116 = arith.select %eq3A_113, %get3A_7, %broadcast_in_dim3A_115 : vector<16xi1>, vector<16xi32>
      %reduce_sum3A_117 = arith.constant true
      %reduce_sum3A_118 = vector.broadcast %reduce_sum3A_117 : i1 to vector<16xi1>
      %reduce_sum3A_119 = tpu.scan <sum>, %select_n3A_116 masked %reduce_sum3A_118 : vector<16xi32>, vector<16xi1> -> vector<16xi32>
      %reduce_sum3A_120 = vector.extract %reduce_sum3A_119[15] : i32 from vector<16xi32>
      %jit3A_121 = arith.constant 16 : i32
      %div3A_122 = arith.divsi %reduce_sum3A_120, %jit3A_121 : i32
      %sign3A_123 = arith.constant 0 : i32
      %sign3A_124 = arith.cmpi sgt, %reduce_sum3A_120, %sign3A_123 : i32
      %sign3A_125 = arith.extui %sign3A_124 : i1 to i32
      %sign3A_126 = arith.constant 0 : i32
      %sign3A_127 = arith.cmpi slt, %reduce_sum3A_120, %sign3A_126 : i32
      %sign3A_128 = arith.extui %sign3A_127 : i1 to i32
      %sign3A_129 = arith.subi %sign3A_125, %sign3A_128 : i32
      %sign3A_130 = arith.constant 0 : i32
      %sign3A_131 = arith.cmpi sgt, %jit3A_121, %sign3A_130 : i32
      %sign3A_132 = arith.extui %sign3A_131 : i1 to i32
      %sign3A_133 = arith.constant 0 : i32
      %sign3A_134 = arith.cmpi slt, %jit3A_121, %sign3A_133 : i32
      %sign3A_135 = arith.extui %sign3A_134 : i1 to i32
      %sign3A_136 = arith.subi %sign3A_132, %sign3A_135 : i32
      %ne3A_137 = arith.cmpi ne, %sign3A_129, %sign3A_136 : i32
      %rem3A_138 = arith.remsi %reduce_sum3A_120, %jit3A_121 : i32
      %ne3A_139 = arith.constant 0 : i32
      %ne3A_140 = arith.cmpi ne, %rem3A_138, %ne3A_139 : i32
      %and3A_141 = arith.andi %ne3A_137, %ne3A_140 : i1
      %sub3A_142 = arith.constant 1 : i32
      %sub3A_143 = arith.subi %div3A_122, %sub3A_142 : i32
      %select_n3A_144 = arith.select %and3A_141, %sub3A_143, %div3A_122 : i32
      %mul3A_145 = arith.constant 16 : i32
      %mul3A_146 = arith.muli %select_n3A_144, %mul3A_145 : i32
      %add3A_147 = arith.constant 3 : i32
      %add3A_148 = arith.addi %mul3A_4, %add3A_147 : i32
      %eq3A_149 = arith.constant 4 : i32
      %eq3A_150 = vector.broadcast %eq3A_149 : i32 to vector<16xi32>
      %eq3A_151 = arith.cmpi eq, %iota3A, %eq3A_150 : vector<16xi32>
      %jit3A_152 = arith.constant 0 : i32
      %broadcast_in_dim3A_153 = vector.broadcast %jit3A_152 : i32 to vector<16xi32>
      %select_n3A_154 = arith.select %eq3A_151, %get3A_7, %broadcast_in_dim3A_153 : vector<16xi1>, vector<16xi32>
      %reduce_sum3A_155 = arith.constant true
      %reduce_sum3A_156 = vector.broadcast %reduce_sum3A_155 : i1 to vector<16xi1>
      %reduce_sum3A_157 = tpu.scan <sum>, %select_n3A_154 masked %reduce_sum3A_156 : vector<16xi32>, vector<16xi1> -> vector<16xi32>
      %reduce_sum3A_158 = vector.extract %reduce_sum3A_157[15] : i32 from vector<16xi32>
      %jit3A_159 = arith.constant 16 : i32
      %div3A_160 = arith.divsi %reduce_sum3A_158, %jit3A_159 : i32
      %sign3A_161 = arith.constant 0 : i32
      %sign3A_162 = arith.cmpi sgt, %reduce_sum3A_158, %sign3A_161 : i32
      %sign3A_163 = arith.extui %sign3A_162 : i1 to i32
      %sign3A_164 = arith.constant 0 : i32
      %sign3A_165 = arith.cmpi slt, %reduce_sum3A_158, %sign3A_164 : i32
      %sign3A_166 = arith.extui %sign3A_165 : i1 to i32
      %sign3A_167 = arith.subi %sign3A_163, %sign3A_166 : i32
      %sign3A_168 = arith.constant 0 : i32
      %sign3A_169 = arith.cmpi sgt, %jit3A_159, %sign3A_168 : i32
      %sign3A_170 = arith.extui %sign3A_169 : i1 to i32
      %sign3A_171 = arith.constant 0 : i32
      %sign3A_172 = arith.cmpi slt, %jit3A_159, %sign3A_171 : i32
      %sign3A_173 = arith.extui %sign3A_172 : i1 to i32
      %sign3A_174 = arith.subi %sign3A_170, %sign3A_173 : i32
      %ne3A_175 = arith.cmpi ne, %sign3A_167, %sign3A_174 : i32
      %rem3A_176 = arith.remsi %reduce_sum3A_158, %jit3A_159 : i32
      %ne3A_177 = arith.constant 0 : i32
      %ne3A_178 = arith.cmpi ne, %rem3A_176, %ne3A_177 : i32
      %and3A_179 = arith.andi %ne3A_175, %ne3A_178 : i1
      %sub3A_180 = arith.constant 1 : i32
      %sub3A_181 = arith.subi %div3A_160, %sub3A_180 : i32
      %select_n3A_182 = arith.select %and3A_179, %sub3A_181, %div3A_160 : i32
      %mul3A_183 = arith.constant 16 : i32
      %mul3A_184 = arith.muli %select_n3A_182, %mul3A_183 : i32
      %add3A_185 = arith.constant 4 : i32
      %add3A_186 = arith.addi %mul3A_4, %add3A_185 : i32
      %eq3A_187 = arith.constant 5 : i32
      %eq3A_188 = vector.broadcast %eq3A_187 : i32 to vector<16xi32>
      %eq3A_189 = arith.cmpi eq, %iota3A, %eq3A_188 : vector<16xi32>
      %jit3A_190 = arith.constant 0 : i32
      %broadcast_in_dim3A_191 = vector.broadcast %jit3A_190 : i32 to vector<16xi32>
      %select_n3A_192 = arith.select %eq3A_189, %get3A_7, %broadcast_in_dim3A_191 : vector<16xi1>, vector<16xi32>
      %reduce_sum3A_193 = arith.constant true
      %reduce_sum3A_194 = vector.broadcast %reduce_sum3A_193 : i1 to vector<16xi1>
      %reduce_sum3A_195 = tpu.scan <sum>, %select_n3A_192 masked %reduce_sum3A_194 : vector<16xi32>, vector<16xi1> -> vector<16xi32>
      %reduce_sum3A_196 = vector.extract %reduce_sum3A_195[15] : i32 from vector<16xi32>
      %jit3A_197 = arith.constant 16 : i32
      %div3A_198 = arith.divsi %reduce_sum3A_196, %jit3A_197 : i32
      %sign3A_199 = arith.constant 0 : i32
      %sign3A_200 = arith.cmpi sgt, %reduce_sum3A_196, %sign3A_199 : i32
      %sign3A_201 = arith.extui %sign3A_200 : i1 to i32
      %sign3A_202 = arith.constant 0 : i32
      %sign3A_203 = arith.cmpi slt, %reduce_sum3A_196, %sign3A_202 : i32
      %sign3A_204 = arith.extui %sign3A_203 : i1 to i32
      %sign3A_205 = arith.subi %sign3A_201, %sign3A_204 : i32
      %sign3A_206 = arith.constant 0 : i32
      %sign3A_207 = arith.cmpi sgt, %jit3A_197, %sign3A_206 : i32
      %sign3A_208 = arith.extui %sign3A_207 : i1 to i32
      %sign3A_209 = arith.constant 0 : i32
      %sign3A_210 = arith.cmpi slt, %jit3A_197, %sign3A_209 : i32
      %sign3A_211 = arith.extui %sign3A_210 : i1 to i32
      %sign3A_212 = arith.subi %sign3A_208, %sign3A_211 : i32
      %ne3A_213 = arith.cmpi ne, %sign3A_205, %sign3A_212 : i32
      %rem3A_214 = arith.remsi %reduce_sum3A_196, %jit3A_197 : i32
      %ne3A_215 = arith.constant 0 : i32
      %ne3A_216 = arith.cmpi ne, %rem3A_214, %ne3A_215 : i32
      %and3A_217 = arith.andi %ne3A_213, %ne3A_216 : i1
      %sub3A_218 = arith.constant 1 : i32
      %sub3A_219 = arith.subi %div3A_198, %sub3A_218 : i32
      %select_n3A_220 = arith.select %and3A_217, %sub3A_219, %div3A_198 : i32
      %mul3A_221 = arith.constant 16 : i32
      %mul3A_222 = arith.muli %select_n3A_220, %mul3A_221 : i32
      %add3A_223 = arith.constant 5 : i32
      %add3A_224 = arith.addi %mul3A_4, %add3A_223 : i32
      %eq3A_225 = arith.constant 6 : i32
      %eq3A_226 = vector.broadcast %eq3A_225 : i32 to vector<16xi32>
      %eq3A_227 = arith.cmpi eq, %iota3A, %eq3A_226 : vector<16xi32>
      %jit3A_228 = arith.constant 0 : i32
      %broadcast_in_dim3A_229 = vector.broadcast %jit3A_228 : i32 to vector<16xi32>
      %select_n3A_230 = arith.select %eq3A_227, %get3A_7, %broadcast_in_dim3A_229 : vector<16xi1>, vector<16xi32>
      %reduce_sum3A_231 = arith.constant true
      %reduce_sum3A_232 = vector.broadcast %reduce_sum3A_231 : i1 to vector<16xi1>
      %reduce_sum3A_233 = tpu.scan <sum>, %select_n3A_230 masked %reduce_sum3A_232 : vector<16xi32>, vector<16xi1> -> vector<16xi32>
      %reduce_sum3A_234 = vector.extract %reduce_sum3A_233[15] : i32 from vector<16xi32>
      %jit3A_235 = arith.constant 16 : i32
      %div3A_236 = arith.divsi %reduce_sum3A_234, %jit3A_235 : i32
      %sign3A_237 = arith.constant 0 : i32
      %sign3A_238 = arith.cmpi sgt, %reduce_sum3A_234, %sign3A_237 : i32
      %sign3A_239 = arith.extui %sign3A_238 : i1 to i32
      %sign3A_240 = arith.constant 0 : i32
      %sign3A_241 = arith.cmpi slt, %reduce_sum3A_234, %sign3A_240 : i32
      %sign3A_242 = arith.extui %sign3A_241 : i1 to i32
      %sign3A_243 = arith.subi %sign3A_239, %sign3A_242 : i32
      %sign3A_244 = arith.constant 0 : i32
      %sign3A_245 = arith.cmpi sgt, %jit3A_235, %sign3A_244 : i32
      %sign3A_246 = arith.extui %sign3A_245 : i1 to i32
      %sign3A_247 = arith.constant 0 : i32
      %sign3A_248 = arith.cmpi slt, %jit3A_235, %sign3A_247 : i32
      %sign3A_249 = arith.extui %sign3A_248 : i1 to i32
      %sign3A_250 = arith.subi %sign3A_246, %sign3A_249 : i32
      %ne3A_251 = arith.cmpi ne, %sign3A_243, %sign3A_250 : i32
      %rem3A_252 = arith.remsi %reduce_sum3A_234, %jit3A_235 : i32
      %ne3A_253 = arith.constant 0 : i32
      %ne3A_254 = arith.cmpi ne, %rem3A_252, %ne3A_253 : i32
      %and3A_255 = arith.andi %ne3A_251, %ne3A_254 : i1
      %sub3A_256 = arith.constant 1 : i32
      %sub3A_257 = arith.subi %div3A_236, %sub3A_256 : i32
      %select_n3A_258 = arith.select %and3A_255, %sub3A_257, %div3A_236 : i32
      %mul3A_259 = arith.constant 16 : i32
      %mul3A_260 = arith.muli %select_n3A_258, %mul3A_259 : i32
      %add3A_261 = arith.constant 6 : i32
      %add3A_262 = arith.addi %mul3A_4, %add3A_261 : i32
      %eq3A_263 = arith.constant 7 : i32
      %eq3A_264 = vector.broadcast %eq3A_263 : i32 to vector<16xi32>
      %eq3A_265 = arith.cmpi eq, %iota3A, %eq3A_264 : vector<16xi32>
      %jit3A_266 = arith.constant 0 : i32
      %broadcast_in_dim3A_267 = vector.broadcast %jit3A_266 : i32 to vector<16xi32>
      %select_n3A_268 = arith.select %eq3A_265, %get3A_7, %broadcast_in_dim3A_267 : vector<16xi1>, vector<16xi32>
      %reduce_sum3A_269 = arith.constant true
      %reduce_sum3A_270 = vector.broadcast %reduce_sum3A_269 : i1 to vector<16xi1>
      %reduce_sum3A_271 = tpu.scan <sum>, %select_n3A_268 masked %reduce_sum3A_270 : vector<16xi32>, vector<16xi1> -> vector<16xi32>
      %reduce_sum3A_272 = vector.extract %reduce_sum3A_271[15] : i32 from vector<16xi32>
      %jit3A_273 = arith.constant 16 : i32
      %div3A_274 = arith.divsi %reduce_sum3A_272, %jit3A_273 : i32
      %sign3A_275 = arith.constant 0 : i32
      %sign3A_276 = arith.cmpi sgt, %reduce_sum3A_272, %sign3A_275 : i32
      %sign3A_277 = arith.extui %sign3A_276 : i1 to i32
      %sign3A_278 = arith.constant 0 : i32
      %sign3A_279 = arith.cmpi slt, %reduce_sum3A_272, %sign3A_278 : i32
      %sign3A_280 = arith.extui %sign3A_279 : i1 to i32
      %sign3A_281 = arith.subi %sign3A_277, %sign3A_280 : i32
      %sign3A_282 = arith.constant 0 : i32
      %sign3A_283 = arith.cmpi sgt, %jit3A_273, %sign3A_282 : i32
      %sign3A_284 = arith.extui %sign3A_283 : i1 to i32
      %sign3A_285 = arith.constant 0 : i32
      %sign3A_286 = arith.cmpi slt, %jit3A_273, %sign3A_285 : i32
      %sign3A_287 = arith.extui %sign3A_286 : i1 to i32
      %sign3A_288 = arith.subi %sign3A_284, %sign3A_287 : i32
      %ne3A_289 = arith.cmpi ne, %sign3A_281, %sign3A_288 : i32
      %rem3A_290 = arith.remsi %reduce_sum3A_272, %jit3A_273 : i32
      %ne3A_291 = arith.constant 0 : i32
      %ne3A_292 = arith.cmpi ne, %rem3A_290, %ne3A_291 : i32
      %and3A_293 = arith.andi %ne3A_289, %ne3A_292 : i1
      %sub3A_294 = arith.constant 1 : i32
      %sub3A_295 = arith.subi %div3A_274, %sub3A_294 : i32
      %select_n3A_296 = arith.select %and3A_293, %sub3A_295, %div3A_274 : i32
      %mul3A_297 = arith.constant 16 : i32
      %mul3A_298 = arith.muli %select_n3A_296, %mul3A_297 : i32
      %add3A_299 = arith.constant 7 : i32
      %add3A_300 = arith.addi %mul3A_4, %add3A_299 : i32
      %eq3A_301 = arith.constant 8 : i32
      %eq3A_302 = vector.broadcast %eq3A_301 : i32 to vector<16xi32>
      %eq3A_303 = arith.cmpi eq, %iota3A, %eq3A_302 : vector<16xi32>
      %jit3A_304 = arith.constant 0 : i32
      %broadcast_in_dim3A_305 = vector.broadcast %jit3A_304 : i32 to vector<16xi32>
      %select_n3A_306 = arith.select %eq3A_303, %get3A_7, %broadcast_in_dim3A_305 : vector<16xi1>, vector<16xi32>
      %reduce_sum3A_307 = arith.constant true
      %reduce_sum3A_308 = vector.broadcast %reduce_sum3A_307 : i1 to vector<16xi1>
      %reduce_sum3A_309 = tpu.scan <sum>, %select_n3A_306 masked %reduce_sum3A_308 : vector<16xi32>, vector<16xi1> -> vector<16xi32>
      %reduce_sum3A_310 = vector.extract %reduce_sum3A_309[15] : i32 from vector<16xi32>
      %jit3A_311 = arith.constant 16 : i32
      %div3A_312 = arith.divsi %reduce_sum3A_310, %jit3A_311 : i32
      %sign3A_313 = arith.constant 0 : i32
      %sign3A_314 = arith.cmpi sgt, %reduce_sum3A_310, %sign3A_313 : i32
      %sign3A_315 = arith.extui %sign3A_314 : i1 to i32
      %sign3A_316 = arith.constant 0 : i32
      %sign3A_317 = arith.cmpi slt, %reduce_sum3A_310, %sign3A_316 : i32
      %sign3A_318 = arith.extui %sign3A_317 : i1 to i32
      %sign3A_319 = arith.subi %sign3A_315, %sign3A_318 : i32
      %sign3A_320 = arith.constant 0 : i32
      %sign3A_321 = arith.cmpi sgt, %jit3A_311, %sign3A_320 : i32
      %sign3A_322 = arith.extui %sign3A_321 : i1 to i32
      %sign3A_323 = arith.constant 0 : i32
      %sign3A_324 = arith.cmpi slt, %jit3A_311, %sign3A_323 : i32
      %sign3A_325 = arith.extui %sign3A_324 : i1 to i32
      %sign3A_326 = arith.subi %sign3A_322, %sign3A_325 : i32
      %ne3A_327 = arith.cmpi ne, %sign3A_319, %sign3A_326 : i32
      %rem3A_328 = arith.remsi %reduce_sum3A_310, %jit3A_311 : i32
      %ne3A_329 = arith.constant 0 : i32
      %ne3A_330 = arith.cmpi ne, %rem3A_328, %ne3A_329 : i32
      %and3A_331 = arith.andi %ne3A_327, %ne3A_330 : i1
      %sub3A_332 = arith.constant 1 : i32
      %sub3A_333 = arith.subi %div3A_312, %sub3A_332 : i32
      %select_n3A_334 = arith.select %and3A_331, %sub3A_333, %div3A_312 : i32
      %mul3A_335 = arith.constant 16 : i32
      %mul3A_336 = arith.muli %select_n3A_334, %mul3A_335 : i32
      %add3A_337 = arith.constant 8 : i32
      %add3A_338 = arith.addi %mul3A_4, %add3A_337 : i32
      %eq3A_339 = arith.constant 9 : i32
      %eq3A_340 = vector.broadcast %eq3A_339 : i32 to vector<16xi32>
      %eq3A_341 = arith.cmpi eq, %iota3A, %eq3A_340 : vector<16xi32>
      %jit3A_342 = arith.constant 0 : i32
      %broadcast_in_dim3A_343 = vector.broadcast %jit3A_342 : i32 to vector<16xi32>
      %select_n3A_344 = arith.select %eq3A_341, %get3A_7, %broadcast_in_dim3A_343 : vector<16xi1>, vector<16xi32>
      %reduce_sum3A_345 = arith.constant true
      %reduce_sum3A_346 = vector.broadcast %reduce_sum3A_345 : i1 to vector<16xi1>
      %reduce_sum3A_347 = tpu.scan <sum>, %select_n3A_344 masked %reduce_sum3A_346 : vector<16xi32>, vector<16xi1> -> vector<16xi32>
      %reduce_sum3A_348 = vector.extract %reduce_sum3A_347[15] : i32 from vector<16xi32>
      %jit3A_349 = arith.constant 16 : i32
      %div3A_350 = arith.divsi %reduce_sum3A_348, %jit3A_349 : i32
      %sign3A_351 = arith.constant 0 : i32
      %sign3A_352 = arith.cmpi sgt, %reduce_sum3A_348, %sign3A_351 : i32
      %sign3A_353 = arith.extui %sign3A_352 : i1 to i32
      %sign3A_354 = arith.constant 0 : i32
      %sign3A_355 = arith.cmpi slt, %reduce_sum3A_348, %sign3A_354 : i32
      %sign3A_356 = arith.extui %sign3A_355 : i1 to i32
      %sign3A_357 = arith.subi %sign3A_353, %sign3A_356 : i32
      %sign3A_358 = arith.constant 0 : i32
      %sign3A_359 = arith.cmpi sgt, %jit3A_349, %sign3A_358 : i32
      %sign3A_360 = arith.extui %sign3A_359 : i1 to i32
      %sign3A_361 = arith.constant 0 : i32
      %sign3A_362 = arith.cmpi slt, %jit3A_349, %sign3A_361 : i32
      %sign3A_363 = arith.extui %sign3A_362 : i1 to i32
      %sign3A_364 = arith.subi %sign3A_360, %sign3A_363 : i32
      %ne3A_365 = arith.cmpi ne, %sign3A_357, %sign3A_364 : i32
      %rem3A_366 = arith.remsi %reduce_sum3A_348, %jit3A_349 : i32
      %ne3A_367 = arith.constant 0 : i32
      %ne3A_368 = arith.cmpi ne, %rem3A_366, %ne3A_367 : i32
      %and3A_369 = arith.andi %ne3A_365, %ne3A_368 : i1
      %sub3A_370 = arith.constant 1 : i32
      %sub3A_371 = arith.subi %div3A_350, %sub3A_370 : i32
      %select_n3A_372 = arith.select %and3A_369, %sub3A_371, %div3A_350 : i32
      %mul3A_373 = arith.constant 16 : i32
      %mul3A_374 = arith.muli %select_n3A_372, %mul3A_373 : i32
      %add3A_375 = arith.constant 9 : i32
      %add3A_376 = arith.addi %mul3A_4, %add3A_375 : i32
      %eq3A_377 = arith.constant 10 : i32
      %eq3A_378 = vector.broadcast %eq3A_377 : i32 to vector<16xi32>
      %eq3A_379 = arith.cmpi eq, %iota3A, %eq3A_378 : vector<16xi32>
      %jit3A_380 = arith.constant 0 : i32
      %broadcast_in_dim3A_381 = vector.broadcast %jit3A_380 : i32 to vector<16xi32>
      %select_n3A_382 = arith.select %eq3A_379, %get3A_7, %broadcast_in_dim3A_381 : vector<16xi1>, vector<16xi32>
      %reduce_sum3A_383 = arith.constant true
      %reduce_sum3A_384 = vector.broadcast %reduce_sum3A_383 : i1 to vector<16xi1>
      %reduce_sum3A_385 = tpu.scan <sum>, %select_n3A_382 masked %reduce_sum3A_384 : vector<16xi32>, vector<16xi1> -> vector<16xi32>
      %reduce_sum3A_386 = vector.extract %reduce_sum3A_385[15] : i32 from vector<16xi32>
      %jit3A_387 = arith.constant 16 : i32
      %div3A_388 = arith.divsi %reduce_sum3A_386, %jit3A_387 : i32
      %sign3A_389 = arith.constant 0 : i32
      %sign3A_390 = arith.cmpi sgt, %reduce_sum3A_386, %sign3A_389 : i32
      %sign3A_391 = arith.extui %sign3A_390 : i1 to i32
      %sign3A_392 = arith.constant 0 : i32
      %sign3A_393 = arith.cmpi slt, %reduce_sum3A_386, %sign3A_392 : i32
      %sign3A_394 = arith.extui %sign3A_393 : i1 to i32
      %sign3A_395 = arith.subi %sign3A_391, %sign3A_394 : i32
      %sign3A_396 = arith.constant 0 : i32
      %sign3A_397 = arith.cmpi sgt, %jit3A_387, %sign3A_396 : i32
      %sign3A_398 = arith.extui %sign3A_397 : i1 to i32
      %sign3A_399 = arith.constant 0 : i32
      %sign3A_400 = arith.cmpi slt, %jit3A_387, %sign3A_399 : i32
      %sign3A_401 = arith.extui %sign3A_400 : i1 to i32
      %sign3A_402 = arith.subi %sign3A_398, %sign3A_401 : i32
      %ne3A_403 = arith.cmpi ne, %sign3A_395, %sign3A_402 : i32
      %rem3A_404 = arith.remsi %reduce_sum3A_386, %jit3A_387 : i32
      %ne3A_405 = arith.constant 0 : i32
      %ne3A_406 = arith.cmpi ne, %rem3A_404, %ne3A_405 : i32
      %and3A_407 = arith.andi %ne3A_403, %ne3A_406 : i1
      %sub3A_408 = arith.constant 1 : i32
      %sub3A_409 = arith.subi %div3A_388, %sub3A_408 : i32
      %select_n3A_410 = arith.select %and3A_407, %sub3A_409, %div3A_388 : i32
      %mul3A_411 = arith.constant 16 : i32
      %mul3A_412 = arith.muli %select_n3A_410, %mul3A_411 : i32
      %add3A_413 = arith.constant 10 : i32
      %add3A_414 = arith.addi %mul3A_4, %add3A_413 : i32
      %eq3A_415 = arith.constant 11 : i32
      %eq3A_416 = vector.broadcast %eq3A_415 : i32 to vector<16xi32>
      %eq3A_417 = arith.cmpi eq, %iota3A, %eq3A_416 : vector<16xi32>
      %jit3A_418 = arith.constant 0 : i32
      %broadcast_in_dim3A_419 = vector.broadcast %jit3A_418 : i32 to vector<16xi32>
      %select_n3A_420 = arith.select %eq3A_417, %get3A_7, %broadcast_in_dim3A_419 : vector<16xi1>, vector<16xi32>
      %reduce_sum3A_421 = arith.constant true
      %reduce_sum3A_422 = vector.broadcast %reduce_sum3A_421 : i1 to vector<16xi1>
      %reduce_sum3A_423 = tpu.scan <sum>, %select_n3A_420 masked %reduce_sum3A_422 : vector<16xi32>, vector<16xi1> -> vector<16xi32>
      %reduce_sum3A_424 = vector.extract %reduce_sum3A_423[15] : i32 from vector<16xi32>
      %jit3A_425 = arith.constant 16 : i32
      %div3A_426 = arith.divsi %reduce_sum3A_424, %jit3A_425 : i32
      %sign3A_427 = arith.constant 0 : i32
      %sign3A_428 = arith.cmpi sgt, %reduce_sum3A_424, %sign3A_427 : i32
      %sign3A_429 = arith.extui %sign3A_428 : i1 to i32
      %sign3A_430 = arith.constant 0 : i32
      %sign3A_431 = arith.cmpi slt, %reduce_sum3A_424, %sign3A_430 : i32
      %sign3A_432 = arith.extui %sign3A_431 : i1 to i32
      %sign3A_433 = arith.subi %sign3A_429, %sign3A_432 : i32
      %sign3A_434 = arith.constant 0 : i32
      %sign3A_435 = arith.cmpi sgt, %jit3A_425, %sign3A_434 : i32
      %sign3A_436 = arith.extui %sign3A_435 : i1 to i32
      %sign3A_437 = arith.constant 0 : i32
      %sign3A_438 = arith.cmpi slt, %jit3A_425, %sign3A_437 : i32
      %sign3A_439 = arith.extui %sign3A_438 : i1 to i32
      %sign3A_440 = arith.subi %sign3A_436, %sign3A_439 : i32
      %ne3A_441 = arith.cmpi ne, %sign3A_433, %sign3A_440 : i32
      %rem3A_442 = arith.remsi %reduce_sum3A_424, %jit3A_425 : i32
      %ne3A_443 = arith.constant 0 : i32
      %ne3A_444 = arith.cmpi ne, %rem3A_442, %ne3A_443 : i32
      %and3A_445 = arith.andi %ne3A_441, %ne3A_444 : i1
      %sub3A_446 = arith.constant 1 : i32
      %sub3A_447 = arith.subi %div3A_426, %sub3A_446 : i32
      %select_n3A_448 = arith.select %and3A_445, %sub3A_447, %div3A_426 : i32
      %mul3A_449 = arith.constant 16 : i32
      %mul3A_450 = arith.muli %select_n3A_448, %mul3A_449 : i32
      %add3A_451 = arith.constant 11 : i32
      %add3A_452 = arith.addi %mul3A_4, %add3A_451 : i32
      %eq3A_453 = arith.constant 12 : i32
      %eq3A_454 = vector.broadcast %eq3A_453 : i32 to vector<16xi32>
      %eq3A_455 = arith.cmpi eq, %iota3A, %eq3A_454 : vector<16xi32>
      %jit3A_456 = arith.constant 0 : i32
      %broadcast_in_dim3A_457 = vector.broadcast %jit3A_456 : i32 to vector<16xi32>
      %select_n3A_458 = arith.select %eq3A_455, %get3A_7, %broadcast_in_dim3A_457 : vector<16xi1>, vector<16xi32>
      %reduce_sum3A_459 = arith.constant true
      %reduce_sum3A_460 = vector.broadcast %reduce_sum3A_459 : i1 to vector<16xi1>
      %reduce_sum3A_461 = tpu.scan <sum>, %select_n3A_458 masked %reduce_sum3A_460 : vector<16xi32>, vector<16xi1> -> vector<16xi32>
      %reduce_sum3A_462 = vector.extract %reduce_sum3A_461[15] : i32 from vector<16xi32>
      %jit3A_463 = arith.constant 16 : i32
      %div3A_464 = arith.divsi %reduce_sum3A_462, %jit3A_463 : i32
      %sign3A_465 = arith.constant 0 : i32
      %sign3A_466 = arith.cmpi sgt, %reduce_sum3A_462, %sign3A_465 : i32
      %sign3A_467 = arith.extui %sign3A_466 : i1 to i32
      %sign3A_468 = arith.constant 0 : i32
      %sign3A_469 = arith.cmpi slt, %reduce_sum3A_462, %sign3A_468 : i32
      %sign3A_470 = arith.extui %sign3A_469 : i1 to i32
      %sign3A_471 = arith.subi %sign3A_467, %sign3A_470 : i32
      %sign3A_472 = arith.constant 0 : i32
      %sign3A_473 = arith.cmpi sgt, %jit3A_463, %sign3A_472 : i32
      %sign3A_474 = arith.extui %sign3A_473 : i1 to i32
      %sign3A_475 = arith.constant 0 : i32
      %sign3A_476 = arith.cmpi slt, %jit3A_463, %sign3A_475 : i32
      %sign3A_477 = arith.extui %sign3A_476 : i1 to i32
      %sign3A_478 = arith.subi %sign3A_474, %sign3A_477 : i32
      %ne3A_479 = arith.cmpi ne, %sign3A_471, %sign3A_478 : i32
      %rem3A_480 = arith.remsi %reduce_sum3A_462, %jit3A_463 : i32
      %ne3A_481 = arith.constant 0 : i32
      %ne3A_482 = arith.cmpi ne, %rem3A_480, %ne3A_481 : i32
      %and3A_483 = arith.andi %ne3A_479, %ne3A_482 : i1
      %sub3A_484 = arith.constant 1 : i32
      %sub3A_485 = arith.subi %div3A_464, %sub3A_484 : i32
      %select_n3A_486 = arith.select %and3A_483, %sub3A_485, %div3A_464 : i32
      %mul3A_487 = arith.constant 16 : i32
      %mul3A_488 = arith.muli %select_n3A_486, %mul3A_487 : i32
      %add3A_489 = arith.constant 12 : i32
      %add3A_490 = arith.addi %mul3A_4, %add3A_489 : i32
      %eq3A_491 = arith.constant 13 : i32
      %eq3A_492 = vector.broadcast %eq3A_491 : i32 to vector<16xi32>
      %eq3A_493 = arith.cmpi eq, %iota3A, %eq3A_492 : vector<16xi32>
      %jit3A_494 = arith.constant 0 : i32
      %broadcast_in_dim3A_495 = vector.broadcast %jit3A_494 : i32 to vector<16xi32>
      %select_n3A_496 = arith.select %eq3A_493, %get3A_7, %broadcast_in_dim3A_495 : vector<16xi1>, vector<16xi32>
      %reduce_sum3A_497 = arith.constant true
      %reduce_sum3A_498 = vector.broadcast %reduce_sum3A_497 : i1 to vector<16xi1>
      %reduce_sum3A_499 = tpu.scan <sum>, %select_n3A_496 masked %reduce_sum3A_498 : vector<16xi32>, vector<16xi1> -> vector<16xi32>
      %reduce_sum3A_500 = vector.extract %reduce_sum3A_499[15] : i32 from vector<16xi32>
      %jit3A_501 = arith.constant 16 : i32
      %div3A_502 = arith.divsi %reduce_sum3A_500, %jit3A_501 : i32
      %sign3A_503 = arith.constant 0 : i32
      %sign3A_504 = arith.cmpi sgt, %reduce_sum3A_500, %sign3A_503 : i32
      %sign3A_505 = arith.extui %sign3A_504 : i1 to i32
      %sign3A_506 = arith.constant 0 : i32
      %sign3A_507 = arith.cmpi slt, %reduce_sum3A_500, %sign3A_506 : i32
      %sign3A_508 = arith.extui %sign3A_507 : i1 to i32
      %sign3A_509 = arith.subi %sign3A_505, %sign3A_508 : i32
      %sign3A_510 = arith.constant 0 : i32
      %sign3A_511 = arith.cmpi sgt, %jit3A_501, %sign3A_510 : i32
      %sign3A_512 = arith.extui %sign3A_511 : i1 to i32
      %sign3A_513 = arith.constant 0 : i32
      %sign3A_514 = arith.cmpi slt, %jit3A_501, %sign3A_513 : i32
      %sign3A_515 = arith.extui %sign3A_514 : i1 to i32
      %sign3A_516 = arith.subi %sign3A_512, %sign3A_515 : i32
      %ne3A_517 = arith.cmpi ne, %sign3A_509, %sign3A_516 : i32
      %rem3A_518 = arith.remsi %reduce_sum3A_500, %jit3A_501 : i32
      %ne3A_519 = arith.constant 0 : i32
      %ne3A_520 = arith.cmpi ne, %rem3A_518, %ne3A_519 : i32
      %and3A_521 = arith.andi %ne3A_517, %ne3A_520 : i1
      %sub3A_522 = arith.constant 1 : i32
      %sub3A_523 = arith.subi %div3A_502, %sub3A_522 : i32
      %select_n3A_524 = arith.select %and3A_521, %sub3A_523, %div3A_502 : i32
      %mul3A_525 = arith.constant 16 : i32
      %mul3A_526 = arith.muli %select_n3A_524, %mul3A_525 : i32
      %add3A_527 = arith.constant 13 : i32
      %add3A_528 = arith.addi %mul3A_4, %add3A_527 : i32
      %eq3A_529 = arith.constant 14 : i32
      %eq3A_530 = vector.broadcast %eq3A_529 : i32 to vector<16xi32>
      %eq3A_531 = arith.cmpi eq, %iota3A, %eq3A_530 : vector<16xi32>
      %jit3A_532 = arith.constant 0 : i32
      %broadcast_in_dim3A_533 = vector.broadcast %jit3A_532 : i32 to vector<16xi32>
      %select_n3A_534 = arith.select %eq3A_531, %get3A_7, %broadcast_in_dim3A_533 : vector<16xi1>, vector<16xi32>
      %reduce_sum3A_535 = arith.constant true
      %reduce_sum3A_536 = vector.broadcast %reduce_sum3A_535 : i1 to vector<16xi1>
      %reduce_sum3A_537 = tpu.scan <sum>, %select_n3A_534 masked %reduce_sum3A_536 : vector<16xi32>, vector<16xi1> -> vector<16xi32>
      %reduce_sum3A_538 = vector.extract %reduce_sum3A_537[15] : i32 from vector<16xi32>
      %jit3A_539 = arith.constant 16 : i32
      %div3A_540 = arith.divsi %reduce_sum3A_538, %jit3A_539 : i32
      %sign3A_541 = arith.constant 0 : i32
      %sign3A_542 = arith.cmpi sgt, %reduce_sum3A_538, %sign3A_541 : i32
      %sign3A_543 = arith.extui %sign3A_542 : i1 to i32
      %sign3A_544 = arith.constant 0 : i32
      %sign3A_545 = arith.cmpi slt, %reduce_sum3A_538, %sign3A_544 : i32
      %sign3A_546 = arith.extui %sign3A_545 : i1 to i32
      %sign3A_547 = arith.subi %sign3A_543, %sign3A_546 : i32
      %sign3A_548 = arith.constant 0 : i32
      %sign3A_549 = arith.cmpi sgt, %jit3A_539, %sign3A_548 : i32
      %sign3A_550 = arith.extui %sign3A_549 : i1 to i32
      %sign3A_551 = arith.constant 0 : i32
      %sign3A_552 = arith.cmpi slt, %jit3A_539, %sign3A_551 : i32
      %sign3A_553 = arith.extui %sign3A_552 : i1 to i32
      %sign3A_554 = arith.subi %sign3A_550, %sign3A_553 : i32
      %ne3A_555 = arith.cmpi ne, %sign3A_547, %sign3A_554 : i32
      %rem3A_556 = arith.remsi %reduce_sum3A_538, %jit3A_539 : i32
      %ne3A_557 = arith.constant 0 : i32
      %ne3A_558 = arith.cmpi ne, %rem3A_556, %ne3A_557 : i32
      %and3A_559 = arith.andi %ne3A_555, %ne3A_558 : i1
      %sub3A_560 = arith.constant 1 : i32
      %sub3A_561 = arith.subi %div3A_540, %sub3A_560 : i32
      %select_n3A_562 = arith.select %and3A_559, %sub3A_561, %div3A_540 : i32
      %mul3A_563 = arith.constant 16 : i32
      %mul3A_564 = arith.muli %select_n3A_562, %mul3A_563 : i32
      %add3A_565 = arith.constant 14 : i32
      %add3A_566 = arith.addi %mul3A_4, %add3A_565 : i32
      %eq3A_567 = arith.constant 15 : i32
      %eq3A_568 = vector.broadcast %eq3A_567 : i32 to vector<16xi32>
      %eq3A_569 = arith.cmpi eq, %iota3A, %eq3A_568 : vector<16xi32>
      %jit3A_570 = arith.constant 0 : i32
      %broadcast_in_dim3A_571 = vector.broadcast %jit3A_570 : i32 to vector<16xi32>
      %select_n3A_572 = arith.select %eq3A_569, %get3A_7, %broadcast_in_dim3A_571 : vector<16xi1>, vector<16xi32>
      %reduce_sum3A_573 = arith.constant true
      %reduce_sum3A_574 = vector.broadcast %reduce_sum3A_573 : i1 to vector<16xi1>
      %reduce_sum3A_575 = tpu.scan <sum>, %select_n3A_572 masked %reduce_sum3A_574 : vector<16xi32>, vector<16xi1> -> vector<16xi32>
      %reduce_sum3A_576 = vector.extract %reduce_sum3A_575[15] : i32 from vector<16xi32>
      %jit3A_577 = arith.constant 16 : i32
      %div3A_578 = arith.divsi %reduce_sum3A_576, %jit3A_577 : i32
      %sign3A_579 = arith.constant 0 : i32
      %sign3A_580 = arith.cmpi sgt, %reduce_sum3A_576, %sign3A_579 : i32
      %sign3A_581 = arith.extui %sign3A_580 : i1 to i32
      %sign3A_582 = arith.constant 0 : i32
      %sign3A_583 = arith.cmpi slt, %reduce_sum3A_576, %sign3A_582 : i32
      %sign3A_584 = arith.extui %sign3A_583 : i1 to i32
      %sign3A_585 = arith.subi %sign3A_581, %sign3A_584 : i32
      %sign3A_586 = arith.constant 0 : i32
      %sign3A_587 = arith.cmpi sgt, %jit3A_577, %sign3A_586 : i32
      %sign3A_588 = arith.extui %sign3A_587 : i1 to i32
      %sign3A_589 = arith.constant 0 : i32
      %sign3A_590 = arith.cmpi slt, %jit3A_577, %sign3A_589 : i32
      %sign3A_591 = arith.extui %sign3A_590 : i1 to i32
      %sign3A_592 = arith.subi %sign3A_588, %sign3A_591 : i32
      %ne3A_593 = arith.cmpi ne, %sign3A_585, %sign3A_592 : i32
      %rem3A_594 = arith.remsi %reduce_sum3A_576, %jit3A_577 : i32
      %ne3A_595 = arith.constant 0 : i32
      %ne3A_596 = arith.cmpi ne, %rem3A_594, %ne3A_595 : i32
      %and3A_597 = arith.andi %ne3A_593, %ne3A_596 : i1
      %sub3A_598 = arith.constant 1 : i32
      %sub3A_599 = arith.subi %div3A_578, %sub3A_598 : i32
      %select_n3A_600 = arith.select %and3A_597, %sub3A_599, %div3A_578 : i32
      %mul3A_601 = arith.constant 16 : i32
      %mul3A_602 = arith.muli %select_n3A_600, %mul3A_601 : i32
      %add3A_603 = arith.constant 15 : i32
      %add3A_604 = arith.addi %mul3A_4, %add3A_603 : i32
      %dma_start3A_605 = arith.constant 0 : i32
      %dma_start3A_606 = tpu.memref_slice %arg6[%dma_start3A_605] : memref<256xf32, #tpu.memory_space<vmem>> -> memref<16xf32, #tpu.memory_space<vmem>>
      %dma_start3A_607 = tpu.memref_slice %arg2[%add3A_34, %mul3A_32] : memref<128x32768xf32, #tpu.memory_space<hbm>> -> memref<1x16xf32, #tpu.memory_space<hbm>>
      %dma_start3A_608 = tpu.memref_squeeze %dma_start3A_607 : memref<1x16xf32, #tpu.memory_space<hbm>> -> memref<16xf32, #tpu.memory_space<hbm>>
      %dma_start3A_609 = arith.constant 0 : i32
      %dma_start3A_610 = tpu.memref_slice %arg6[%dma_start3A_609] : memref<256xf32, #tpu.memory_space<vmem>> -> memref<16xf32, #tpu.memory_space<vmem>>
      %dma_start3A_611 = tpu.memref_slice %arg2[%add3A_34, %mul3A_32] : memref<128x32768xf32, #tpu.memory_space<hbm>> -> memref<1x16xf32, #tpu.memory_space<hbm>>
      %dma_start3A_612 = tpu.memref_squeeze %dma_start3A_611 : memref<1x16xf32, #tpu.memory_space<hbm>> -> memref<16xf32, #tpu.memory_space<hbm>>
      tpu.enqueue_dma source(%dma_start3A_612 : memref<16xf32, #tpu.memory_space<hbm>>) target(%dma_start3A_610 : memref<16xf32, #tpu.memory_space<vmem>>) target_semaphore(%arg8 : memref<!tpu.dma_semaphore, #tpu.memory_space<semaphore_mem>>)
      %dma_start3A_613 = arith.constant 16 : i32
      %dma_start3A_614 = tpu.memref_slice %arg6[%dma_start3A_613] : memref<256xf32, #tpu.memory_space<vmem>> -> memref<16xf32, #tpu.memory_space<vmem>>
      %dma_start3A_615 = tpu.memref_slice %arg2[%add3A_72, %mul3A_70] : memref<128x32768xf32, #tpu.memory_space<hbm>> -> memref<1x16xf32, #tpu.memory_space<hbm>>
      %dma_start3A_616 = tpu.memref_squeeze %dma_start3A_615 : memref<1x16xf32, #tpu.memory_space<hbm>> -> memref<16xf32, #tpu.memory_space<hbm>>
      %dma_start3A_617 = arith.constant 16 : i32
      %dma_start3A_618 = tpu.memref_slice %arg6[%dma_start3A_617] : memref<256xf32, #tpu.memory_space<vmem>> -> memref<16xf32, #tpu.memory_space<vmem>>
      %dma_start3A_619 = tpu.memref_slice %arg2[%add3A_72, %mul3A_70] : memref<128x32768xf32, #tpu.memory_space<hbm>> -> memref<1x16xf32, #tpu.memory_space<hbm>>
      %dma_start3A_620 = tpu.memref_squeeze %dma_start3A_619 : memref<1x16xf32, #tpu.memory_space<hbm>> -> memref<16xf32, #tpu.memory_space<hbm>>
      tpu.enqueue_dma source(%dma_start3A_620 : memref<16xf32, #tpu.memory_space<hbm>>) target(%dma_start3A_618 : memref<16xf32, #tpu.memory_space<vmem>>) target_semaphore(%arg8 : memref<!tpu.dma_semaphore, #tpu.memory_space<semaphore_mem>>)
      %dma_start3A_621 = arith.constant 32 : i32
      %dma_start3A_622 = tpu.memref_slice %arg6[%dma_start3A_621] : memref<256xf32, #tpu.memory_space<vmem>> -> memref<16xf32, #tpu.memory_space<vmem>>
      %dma_start3A_623 = tpu.memref_slice %arg2[%add3A_110, %mul3A_108] : memref<128x32768xf32, #tpu.memory_space<hbm>> -> memref<1x16xf32, #tpu.memory_space<hbm>>
      %dma_start3A_624 = tpu.memref_squeeze %dma_start3A_623 : memref<1x16xf32, #tpu.memory_space<hbm>> -> memref<16xf32, #tpu.memory_space<hbm>>
      %dma_start3A_625 = arith.constant 32 : i32
      %dma_start3A_626 = tpu.memref_slice %arg6[%dma_start3A_625] : memref<256xf32, #tpu.memory_space<vmem>> -> memref<16xf32, #tpu.memory_space<vmem>>
      %dma_start3A_627 = tpu.memref_slice %arg2[%add3A_110, %mul3A_108] : memref<128x32768xf32, #tpu.memory_space<hbm>> -> memref<1x16xf32, #tpu.memory_space<hbm>>
      %dma_start3A_628 = tpu.memref_squeeze %dma_start3A_627 : memref<1x16xf32, #tpu.memory_space<hbm>> -> memref<16xf32, #tpu.memory_space<hbm>>
      tpu.enqueue_dma source(%dma_start3A_628 : memref<16xf32, #tpu.memory_space<hbm>>) target(%dma_start3A_626 : memref<16xf32, #tpu.memory_space<vmem>>) target_semaphore(%arg8 : memref<!tpu.dma_semaphore, #tpu.memory_space<semaphore_mem>>)
      %dma_start3A_629 = arith.constant 48 : i32
      %dma_start3A_630 = tpu.memref_slice %arg6[%dma_start3A_629] : memref<256xf32, #tpu.memory_space<vmem>> -> memref<16xf32, #tpu.memory_space<vmem>>
      %dma_start3A_631 = tpu.memref_slice %arg2[%add3A_148, %mul3A_146] : memref<128x32768xf32, #tpu.memory_space<hbm>> -> memref<1x16xf32, #tpu.memory_space<hbm>>
      %dma_start3A_632 = tpu.memref_squeeze %dma_start3A_631 : memref<1x16xf32, #tpu.memory_space<hbm>> -> memref<16xf32, #tpu.memory_space<hbm>>
      %dma_start3A_633 = arith.constant 48 : i32
      %dma_start3A_634 = tpu.memref_slice %arg6[%dma_start3A_633] : memref<256xf32, #tpu.memory_space<vmem>> -> memref<16xf32, #tpu.memory_space<vmem>>
      %dma_start3A_635 = tpu.memref_slice %arg2[%add3A_148, %mul3A_146] : memref<128x32768xf32, #tpu.memory_space<hbm>> -> memref<1x16xf32, #tpu.memory_space<hbm>>
      %dma_start3A_636 = tpu.memref_squeeze %dma_start3A_635 : memref<1x16xf32, #tpu.memory_space<hbm>> -> memref<16xf32, #tpu.memory_space<hbm>>
      tpu.enqueue_dma source(%dma_start3A_636 : memref<16xf32, #tpu.memory_space<hbm>>) target(%dma_start3A_634 : memref<16xf32, #tpu.memory_space<vmem>>) target_semaphore(%arg8 : memref<!tpu.dma_semaphore, #tpu.memory_space<semaphore_mem>>)
      %dma_start3A_637 = arith.constant 64 : i32
      %dma_start3A_638 = tpu.memref_slice %arg6[%dma_start3A_637] : memref<256xf32, #tpu.memory_space<vmem>> -> memref<16xf32, #tpu.memory_space<vmem>>
      %dma_start3A_639 = tpu.memref_slice %arg2[%add3A_186, %mul3A_184] : memref<128x32768xf32, #tpu.memory_space<hbm>> -> memref<1x16xf32, #tpu.memory_space<hbm>>
      %dma_start3A_640 = tpu.memref_squeeze %dma_start3A_639 : memref<1x16xf32, #tpu.memory_space<hbm>> -> memref<16xf32, #tpu.memory_space<hbm>>
      %dma_start3A_641 = arith.constant 64 : i32
      %dma_start3A_642 = tpu.memref_slice %arg6[%dma_start3A_641] : memref<256xf32, #tpu.memory_space<vmem>> -> memref<16xf32, #tpu.memory_space<vmem>>
      %dma_start3A_643 = tpu.memref_slice %arg2[%add3A_186, %mul3A_184] : memref<128x32768xf32, #tpu.memory_space<hbm>> -> memref<1x16xf32, #tpu.memory_space<hbm>>
      %dma_start3A_644 = tpu.memref_squeeze %dma_start3A_643 : memref<1x16xf32, #tpu.memory_space<hbm>> -> memref<16xf32, #tpu.memory_space<hbm>>
      tpu.enqueue_dma source(%dma_start3A_644 : memref<16xf32, #tpu.memory_space<hbm>>) target(%dma_start3A_642 : memref<16xf32, #tpu.memory_space<vmem>>) target_semaphore(%arg8 : memref<!tpu.dma_semaphore, #tpu.memory_space<semaphore_mem>>)
      %dma_start3A_645 = arith.constant 80 : i32
      %dma_start3A_646 = tpu.memref_slice %arg6[%dma_start3A_645] : memref<256xf32, #tpu.memory_space<vmem>> -> memref<16xf32, #tpu.memory_space<vmem>>
      %dma_start3A_647 = tpu.memref_slice %arg2[%add3A_224, %mul3A_222] : memref<128x32768xf32, #tpu.memory_space<hbm>> -> memref<1x16xf32, #tpu.memory_space<hbm>>
      %dma_start3A_648 = tpu.memref_squeeze %dma_start3A_647 : memref<1x16xf32, #tpu.memory_space<hbm>> -> memref<16xf32, #tpu.memory_space<hbm>>
      %dma_start3A_649 = arith.constant 80 : i32
      %dma_start3A_650 = tpu.memref_slice %arg6[%dma_start3A_649] : memref<256xf32, #tpu.memory_space<vmem>> -> memref<16xf32, #tpu.memory_space<vmem>>
      %dma_start3A_651 = tpu.memref_slice %arg2[%add3A_224, %mul3A_222] : memref<128x32768xf32, #tpu.memory_space<hbm>> -> memref<1x16xf32, #tpu.memory_space<hbm>>
      %dma_start3A_652 = tpu.memref_squeeze %dma_start3A_651 : memref<1x16xf32, #tpu.memory_space<hbm>> -> memref<16xf32, #tpu.memory_space<hbm>>
      tpu.enqueue_dma source(%dma_start3A_652 : memref<16xf32, #tpu.memory_space<hbm>>) target(%dma_start3A_650 : memref<16xf32, #tpu.memory_space<vmem>>) target_semaphore(%arg8 : memref<!tpu.dma_semaphore, #tpu.memory_space<semaphore_mem>>)
      %dma_start3A_653 = arith.constant 96 : i32
      %dma_start3A_654 = tpu.memref_slice %arg6[%dma_start3A_653] : memref<256xf32, #tpu.memory_space<vmem>> -> memref<16xf32, #tpu.memory_space<vmem>>
      %dma_start3A_655 = tpu.memref_slice %arg2[%add3A_262, %mul3A_260] : memref<128x32768xf32, #tpu.memory_space<hbm>> -> memref<1x16xf32, #tpu.memory_space<hbm>>
      %dma_start3A_656 = tpu.memref_squeeze %dma_start3A_655 : memref<1x16xf32, #tpu.memory_space<hbm>> -> memref<16xf32, #tpu.memory_space<hbm>>
      %dma_start3A_657 = arith.constant 96 : i32
      %dma_start3A_658 = tpu.memref_slice %arg6[%dma_start3A_657] : memref<256xf32, #tpu.memory_space<vmem>> -> memref<16xf32, #tpu.memory_space<vmem>>
      %dma_start3A_659 = tpu.memref_slice %arg2[%add3A_262, %mul3A_260] : memref<128x32768xf32, #tpu.memory_space<hbm>> -> memref<1x16xf32, #tpu.memory_space<hbm>>
      %dma_start3A_660 = tpu.memref_squeeze %dma_start3A_659 : memref<1x16xf32, #tpu.memory_space<hbm>> -> memref<16xf32, #tpu.memory_space<hbm>>
      tpu.enqueue_dma source(%dma_start3A_660 : memref<16xf32, #tpu.memory_space<hbm>>) target(%dma_start3A_658 : memref<16xf32, #tpu.memory_space<vmem>>) target_semaphore(%arg8 : memref<!tpu.dma_semaphore, #tpu.memory_space<semaphore_mem>>)
      %dma_start3A_661 = arith.constant 112 : i32
      %dma_start3A_662 = tpu.memref_slice %arg6[%dma_start3A_661] : memref<256xf32, #tpu.memory_space<vmem>> -> memref<16xf32, #tpu.memory_space<vmem>>
      %dma_start3A_663 = tpu.memref_slice %arg2[%add3A_300, %mul3A_298] : memref<128x32768xf32, #tpu.memory_space<hbm>> -> memref<1x16xf32, #tpu.memory_space<hbm>>
      %dma_start3A_664 = tpu.memref_squeeze %dma_start3A_663 : memref<1x16xf32, #tpu.memory_space<hbm>> -> memref<16xf32, #tpu.memory_space<hbm>>
      %dma_start3A_665 = arith.constant 112 : i32
      %dma_start3A_666 = tpu.memref_slice %arg6[%dma_start3A_665] : memref<256xf32, #tpu.memory_space<vmem>> -> memref<16xf32, #tpu.memory_space<vmem>>
      %dma_start3A_667 = tpu.memref_slice %arg2[%add3A_300, %mul3A_298] : memref<128x32768xf32, #tpu.memory_space<hbm>> -> memref<1x16xf32, #tpu.memory_space<hbm>>
      %dma_start3A_668 = tpu.memref_squeeze %dma_start3A_667 : memref<1x16xf32, #tpu.memory_space<hbm>> -> memref<16xf32, #tpu.memory_space<hbm>>
      tpu.enqueue_dma source(%dma_start3A_668 : memref<16xf32, #tpu.memory_space<hbm>>) target(%dma_start3A_666 : memref<16xf32, #tpu.memory_space<vmem>>) target_semaphore(%arg8 : memref<!tpu.dma_semaphore, #tpu.memory_space<semaphore_mem>>)
      %dma_start3A_669 = arith.constant 128 : i32
      %dma_start3A_670 = tpu.memref_slice %arg6[%dma_start3A_669] : memref<256xf32, #tpu.memory_space<vmem>> -> memref<16xf32, #tpu.memory_space<vmem>>
      %dma_start3A_671 = tpu.memref_slice %arg2[%add3A_338, %mul3A_336] : memref<128x32768xf32, #tpu.memory_space<hbm>> -> memref<1x16xf32, #tpu.memory_space<hbm>>
      %dma_start3A_672 = tpu.memref_squeeze %dma_start3A_671 : memref<1x16xf32, #tpu.memory_space<hbm>> -> memref<16xf32, #tpu.memory_space<hbm>>
      %dma_start3A_673 = arith.constant 128 : i32
      %dma_start3A_674 = tpu.memref_slice %arg6[%dma_start3A_673] : memref<256xf32, #tpu.memory_space<vmem>> -> memref<16xf32, #tpu.memory_space<vmem>>
      %dma_start3A_675 = tpu.memref_slice %arg2[%add3A_338, %mul3A_336] : memref<128x32768xf32, #tpu.memory_space<hbm>> -> memref<1x16xf32, #tpu.memory_space<hbm>>
      %dma_start3A_676 = tpu.memref_squeeze %dma_start3A_675 : memref<1x16xf32, #tpu.memory_space<hbm>> -> memref<16xf32, #tpu.memory_space<hbm>>
      tpu.enqueue_dma source(%dma_start3A_676 : memref<16xf32, #tpu.memory_space<hbm>>) target(%dma_start3A_674 : memref<16xf32, #tpu.memory_space<vmem>>) target_semaphore(%arg8 : memref<!tpu.dma_semaphore, #tpu.memory_space<semaphore_mem>>)
      %dma_start3A_677 = arith.constant 144 : i32
      %dma_start3A_678 = tpu.memref_slice %arg6[%dma_start3A_677] : memref<256xf32, #tpu.memory_space<vmem>> -> memref<16xf32, #tpu.memory_space<vmem>>
      %dma_start3A_679 = tpu.memref_slice %arg2[%add3A_376, %mul3A_374] : memref<128x32768xf32, #tpu.memory_space<hbm>> -> memref<1x16xf32, #tpu.memory_space<hbm>>
      %dma_start3A_680 = tpu.memref_squeeze %dma_start3A_679 : memref<1x16xf32, #tpu.memory_space<hbm>> -> memref<16xf32, #tpu.memory_space<hbm>>
      %dma_start3A_681 = arith.constant 144 : i32
      %dma_start3A_682 = tpu.memref_slice %arg6[%dma_start3A_681] : memref<256xf32, #tpu.memory_space<vmem>> -> memref<16xf32, #tpu.memory_space<vmem>>
      %dma_start3A_683 = tpu.memref_slice %arg2[%add3A_376, %mul3A_374] : memref<128x32768xf32, #tpu.memory_space<hbm>> -> memref<1x16xf32, #tpu.memory_space<hbm>>
      %dma_start3A_684 = tpu.memref_squeeze %dma_start3A_683 : memref<1x16xf32, #tpu.memory_space<hbm>> -> memref<16xf32, #tpu.memory_space<hbm>>
      tpu.enqueue_dma source(%dma_start3A_684 : memref<16xf32, #tpu.memory_space<hbm>>) target(%dma_start3A_682 : memref<16xf32, #tpu.memory_space<vmem>>) target_semaphore(%arg8 : memref<!tpu.dma_semaphore, #tpu.memory_space<semaphore_mem>>)
      %dma_start3A_685 = arith.constant 160 : i32
      %dma_start3A_686 = tpu.memref_slice %arg6[%dma_start3A_685] : memref<256xf32, #tpu.memory_space<vmem>> -> memref<16xf32, #tpu.memory_space<vmem>>
      %dma_start3A_687 = tpu.memref_slice %arg2[%add3A_414, %mul3A_412] : memref<128x32768xf32, #tpu.memory_space<hbm>> -> memref<1x16xf32, #tpu.memory_space<hbm>>
      %dma_start3A_688 = tpu.memref_squeeze %dma_start3A_687 : memref<1x16xf32, #tpu.memory_space<hbm>> -> memref<16xf32, #tpu.memory_space<hbm>>
      %dma_start3A_689 = arith.constant 160 : i32
      %dma_start3A_690 = tpu.memref_slice %arg6[%dma_start3A_689] : memref<256xf32, #tpu.memory_space<vmem>> -> memref<16xf32, #tpu.memory_space<vmem>>
      %dma_start3A_691 = tpu.memref_slice %arg2[%add3A_414, %mul3A_412] : memref<128x32768xf32, #tpu.memory_space<hbm>> -> memref<1x16xf32, #tpu.memory_space<hbm>>
      %dma_start3A_692 = tpu.memref_squeeze %dma_start3A_691 : memref<1x16xf32, #tpu.memory_space<hbm>> -> memref<16xf32, #tpu.memory_space<hbm>>
      tpu.enqueue_dma source(%dma_start3A_692 : memref<16xf32, #tpu.memory_space<hbm>>) target(%dma_start3A_690 : memref<16xf32, #tpu.memory_space<vmem>>) target_semaphore(%arg8 : memref<!tpu.dma_semaphore, #tpu.memory_space<semaphore_mem>>)
      %dma_start3A_693 = arith.constant 176 : i32
      %dma_start3A_694 = tpu.memref_slice %arg6[%dma_start3A_693] : memref<256xf32, #tpu.memory_space<vmem>> -> memref<16xf32, #tpu.memory_space<vmem>>
      %dma_start3A_695 = tpu.memref_slice %arg2[%add3A_452, %mul3A_450] : memref<128x32768xf32, #tpu.memory_space<hbm>> -> memref<1x16xf32, #tpu.memory_space<hbm>>
      %dma_start3A_696 = tpu.memref_squeeze %dma_start3A_695 : memref<1x16xf32, #tpu.memory_space<hbm>> -> memref<16xf32, #tpu.memory_space<hbm>>
      %dma_start3A_697 = arith.constant 176 : i32
      %dma_start3A_698 = tpu.memref_slice %arg6[%dma_start3A_697] : memref<256xf32, #tpu.memory_space<vmem>> -> memref<16xf32, #tpu.memory_space<vmem>>
      %dma_start3A_699 = tpu.memref_slice %arg2[%add3A_452, %mul3A_450] : memref<128x32768xf32, #tpu.memory_space<hbm>> -> memref<1x16xf32, #tpu.memory_space<hbm>>
      %dma_start3A_700 = tpu.memref_squeeze %dma_start3A_699 : memref<1x16xf32, #tpu.memory_space<hbm>> -> memref<16xf32, #tpu.memory_space<hbm>>
      tpu.enqueue_dma source(%dma_start3A_700 : memref<16xf32, #tpu.memory_space<hbm>>) target(%dma_start3A_698 : memref<16xf32, #tpu.memory_space<vmem>>) target_semaphore(%arg8 : memref<!tpu.dma_semaphore, #tpu.memory_space<semaphore_mem>>)
      %dma_start3A_701 = arith.constant 192 : i32
      %dma_start3A_702 = tpu.memref_slice %arg6[%dma_start3A_701] : memref<256xf32, #tpu.memory_space<vmem>> -> memref<16xf32, #tpu.memory_space<vmem>>
      %dma_start3A_703 = tpu.memref_slice %arg2[%add3A_490, %mul3A_488] : memref<128x32768xf32, #tpu.memory_space<hbm>> -> memref<1x16xf32, #tpu.memory_space<hbm>>
      %dma_start3A_704 = tpu.memref_squeeze %dma_start3A_703 : memref<1x16xf32, #tpu.memory_space<hbm>> -> memref<16xf32, #tpu.memory_space<hbm>>
      %dma_start3A_705 = arith.constant 192 : i32
      %dma_start3A_706 = tpu.memref_slice %arg6[%dma_start3A_705] : memref<256xf32, #tpu.memory_space<vmem>> -> memref<16xf32, #tpu.memory_space<vmem>>
      %dma_start3A_707 = tpu.memref_slice %arg2[%add3A_490, %mul3A_488] : memref<128x32768xf32, #tpu.memory_space<hbm>> -> memref<1x16xf32, #tpu.memory_space<hbm>>
      %dma_start3A_708 = tpu.memref_squeeze %dma_start3A_707 : memref<1x16xf32, #tpu.memory_space<hbm>> -> memref<16xf32, #tpu.memory_space<hbm>>
      tpu.enqueue_dma source(%dma_start3A_708 : memref<16xf32, #tpu.memory_space<hbm>>) target(%dma_start3A_706 : memref<16xf32, #tpu.memory_space<vmem>>) target_semaphore(%arg8 : memref<!tpu.dma_semaphore, #tpu.memory_space<semaphore_mem>>)
      %dma_start3A_709 = arith.constant 208 : i32
      %dma_start3A_710 = tpu.memref_slice %arg6[%dma_start3A_709] : memref<256xf32, #tpu.memory_space<vmem>> -> memref<16xf32, #tpu.memory_space<vmem>>
      %dma_start3A_711 = tpu.memref_slice %arg2[%add3A_528, %mul3A_526] : memref<128x32768xf32, #tpu.memory_space<hbm>> -> memref<1x16xf32, #tpu.memory_space<hbm>>
      %dma_start3A_712 = tpu.memref_squeeze %dma_start3A_711 : memref<1x16xf32, #tpu.memory_space<hbm>> -> memref<16xf32, #tpu.memory_space<hbm>>
      %dma_start3A_713 = arith.constant 208 : i32
      %dma_start3A_714 = tpu.memref_slice %arg6[%dma_start3A_713] : memref<256xf32, #tpu.memory_space<vmem>> -> memref<16xf32, #tpu.memory_space<vmem>>
      %dma_start3A_715 = tpu.memref_slice %arg2[%add3A_528, %mul3A_526] : memref<128x32768xf32, #tpu.memory_space<hbm>> -> memref<1x16xf32, #tpu.memory_space<hbm>>
      %dma_start3A_716 = tpu.memref_squeeze %dma_start3A_715 : memref<1x16xf32, #tpu.memory_space<hbm>> -> memref<16xf32, #tpu.memory_space<hbm>>
      tpu.enqueue_dma source(%dma_start3A_716 : memref<16xf32, #tpu.memory_space<hbm>>) target(%dma_start3A_714 : memref<16xf32, #tpu.memory_space<vmem>>) target_semaphore(%arg8 : memref<!tpu.dma_semaphore, #tpu.memory_space<semaphore_mem>>)
      %dma_start3A_717 = arith.constant 224 : i32
      %dma_start3A_718 = tpu.memref_slice %arg6[%dma_start3A_717] : memref<256xf32, #tpu.memory_space<vmem>> -> memref<16xf32, #tpu.memory_space<vmem>>
      %dma_start3A_719 = tpu.memref_slice %arg2[%add3A_566, %mul3A_564] : memref<128x32768xf32, #tpu.memory_space<hbm>> -> memref<1x16xf32, #tpu.memory_space<hbm>>
      %dma_start3A_720 = tpu.memref_squeeze %dma_start3A_719 : memref<1x16xf32, #tpu.memory_space<hbm>> -> memref<16xf32, #tpu.memory_space<hbm>>
      %dma_start3A_721 = arith.constant 224 : i32
      %dma_start3A_722 = tpu.memref_slice %arg6[%dma_start3A_721] : memref<256xf32, #tpu.memory_space<vmem>> -> memref<16xf32, #tpu.memory_space<vmem>>
      %dma_start3A_723 = tpu.memref_slice %arg2[%add3A_566, %mul3A_564] : memref<128x32768xf32, #tpu.memory_space<hbm>> -> memref<1x16xf32, #tpu.memory_space<hbm>>
      %dma_start3A_724 = tpu.memref_squeeze %dma_start3A_723 : memref<1x16xf32, #tpu.memory_space<hbm>> -> memref<16xf32, #tpu.memory_space<hbm>>
      tpu.enqueue_dma source(%dma_start3A_724 : memref<16xf32, #tpu.memory_space<hbm>>) target(%dma_start3A_722 : memref<16xf32, #tpu.memory_space<vmem>>) target_semaphore(%arg8 : memref<!tpu.dma_semaphore, #tpu.memory_space<semaphore_mem>>)
      %dma_start3A_725 = arith.constant 240 : i32
      %dma_start3A_726 = tpu.memref_slice %arg6[%dma_start3A_725] : memref<256xf32, #tpu.memory_space<vmem>> -> memref<16xf32, #tpu.memory_space<vmem>>
      %dma_start3A_727 = tpu.memref_slice %arg2[%add3A_604, %mul3A_602] : memref<128x32768xf32, #tpu.memory_space<hbm>> -> memref<1x16xf32, #tpu.memory_space<hbm>>
      %dma_start3A_728 = tpu.memref_squeeze %dma_start3A_727 : memref<1x16xf32, #tpu.memory_space<hbm>> -> memref<16xf32, #tpu.memory_space<hbm>>
      %dma_start3A_729 = arith.constant 240 : i32
      %dma_start3A_730 = tpu.memref_slice %arg6[%dma_start3A_729] : memref<256xf32, #tpu.memory_space<vmem>> -> memref<16xf32, #tpu.memory_space<vmem>>
      %dma_start3A_731 = tpu.memref_slice %arg2[%add3A_604, %mul3A_602] : memref<128x32768xf32, #tpu.memory_space<hbm>> -> memref<1x16xf32, #tpu.memory_space<hbm>>
      %dma_start3A_732 = tpu.memref_squeeze %dma_start3A_731 : memref<1x16xf32, #tpu.memory_space<hbm>> -> memref<16xf32, #tpu.memory_space<hbm>>
      tpu.enqueue_dma source(%dma_start3A_732 : memref<16xf32, #tpu.memory_space<hbm>>) target(%dma_start3A_730 : memref<16xf32, #tpu.memory_space<vmem>>) target_semaphore(%arg8 : memref<!tpu.dma_semaphore, #tpu.memory_space<semaphore_mem>>)
      %dma_wait3A_733 = arith.constant 0 : i32
      %dma_wait3A_734 = tpu.memref_slice %arg6[%dma_wait3A_733] : memref<256xf32, #tpu.memory_space<vmem>> -> memref<16xf32, #tpu.memory_space<vmem>>
      %dma_wait3A_735 = tpu.memref_slice %arg2[%add3A_34, %mul3A_32] : memref<128x32768xf32, #tpu.memory_space<hbm>> -> memref<1x16xf32, #tpu.memory_space<hbm>>
      %dma_wait3A_736 = tpu.memref_squeeze %dma_wait3A_735 : memref<1x16xf32, #tpu.memory_space<hbm>> -> memref<16xf32, #tpu.memory_space<hbm>>
      %dma_wait3A_737 = arith.constant 0 : i32
      %dma_wait3A_738 = tpu.memref_slice %arg6[%dma_wait3A_737] : memref<256xf32, #tpu.memory_space<vmem>> -> memref<16xf32, #tpu.memory_space<vmem>>
      %dma_wait3A_739 = tpu.memref_slice %arg2[%add3A_34, %mul3A_32] : memref<128x32768xf32, #tpu.memory_space<hbm>> -> memref<1x16xf32, #tpu.memory_space<hbm>>
      %dma_wait3A_740 = tpu.memref_squeeze %dma_wait3A_739 : memref<1x16xf32, #tpu.memory_space<hbm>> -> memref<16xf32, #tpu.memory_space<hbm>>
      tpu.wait_dma2 semaphore(%arg8 : memref<!tpu.dma_semaphore, #tpu.memory_space<semaphore_mem>>) src(%dma_wait3A_740 : memref<16xf32, #tpu.memory_space<hbm>>) dst(%dma_wait3A_738 : memref<16xf32, #tpu.memory_space<vmem>>)
      %dma_wait3A_741 = arith.constant 16 : i32
      %dma_wait3A_742 = tpu.memref_slice %arg6[%dma_wait3A_741] : memref<256xf32, #tpu.memory_space<vmem>> -> memref<16xf32, #tpu.memory_space<vmem>>
      %dma_wait3A_743 = tpu.memref_slice %arg2[%add3A_72, %mul3A_70] : memref<128x32768xf32, #tpu.memory_space<hbm>> -> memref<1x16xf32, #tpu.memory_space<hbm>>
      %dma_wait3A_744 = tpu.memref_squeeze %dma_wait3A_743 : memref<1x16xf32, #tpu.memory_space<hbm>> -> memref<16xf32, #tpu.memory_space<hbm>>
      %dma_wait3A_745 = arith.constant 16 : i32
      %dma_wait3A_746 = tpu.memref_slice %arg6[%dma_wait3A_745] : memref<256xf32, #tpu.memory_space<vmem>> -> memref<16xf32, #tpu.memory_space<vmem>>
      %dma_wait3A_747 = tpu.memref_slice %arg2[%add3A_72, %mul3A_70] : memref<128x32768xf32, #tpu.memory_space<hbm>> -> memref<1x16xf32, #tpu.memory_space<hbm>>
      %dma_wait3A_748 = tpu.memref_squeeze %dma_wait3A_747 : memref<1x16xf32, #tpu.memory_space<hbm>> -> memref<16xf32, #tpu.memory_space<hbm>>
      tpu.wait_dma2 semaphore(%arg8 : memref<!tpu.dma_semaphore, #tpu.memory_space<semaphore_mem>>) src(%dma_wait3A_748 : memref<16xf32, #tpu.memory_space<hbm>>) dst(%dma_wait3A_746 : memref<16xf32, #tpu.memory_space<vmem>>)
      %dma_wait3A_749 = arith.constant 32 : i32
      %dma_wait3A_750 = tpu.memref_slice %arg6[%dma_wait3A_749] : memref<256xf32, #tpu.memory_space<vmem>> -> memref<16xf32, #tpu.memory_space<vmem>>
      %dma_wait3A_751 = tpu.memref_slice %arg2[%add3A_110, %mul3A_108] : memref<128x32768xf32, #tpu.memory_space<hbm>> -> memref<1x16xf32, #tpu.memory_space<hbm>>
      %dma_wait3A_752 = tpu.memref_squeeze %dma_wait3A_751 : memref<1x16xf32, #tpu.memory_space<hbm>> -> memref<16xf32, #tpu.memory_space<hbm>>
      %dma_wait3A_753 = arith.constant 32 : i32
      %dma_wait3A_754 = tpu.memref_slice %arg6[%dma_wait3A_753] : memref<256xf32, #tpu.memory_space<vmem>> -> memref<16xf32, #tpu.memory_space<vmem>>
      %dma_wait3A_755 = tpu.memref_slice %arg2[%add3A_110, %mul3A_108] : memref<128x32768xf32, #tpu.memory_space<hbm>> -> memref<1x16xf32, #tpu.memory_space<hbm>>
      %dma_wait3A_756 = tpu.memref_squeeze %dma_wait3A_755 : memref<1x16xf32, #tpu.memory_space<hbm>> -> memref<16xf32, #tpu.memory_space<hbm>>
      tpu.wait_dma2 semaphore(%arg8 : memref<!tpu.dma_semaphore, #tpu.memory_space<semaphore_mem>>) src(%dma_wait3A_756 : memref<16xf32, #tpu.memory_space<hbm>>) dst(%dma_wait3A_754 : memref<16xf32, #tpu.memory_space<vmem>>)
      %dma_wait3A_757 = arith.constant 48 : i32
      %dma_wait3A_758 = tpu.memref_slice %arg6[%dma_wait3A_757] : memref<256xf32, #tpu.memory_space<vmem>> -> memref<16xf32, #tpu.memory_space<vmem>>
      %dma_wait3A_759 = tpu.memref_slice %arg2[%add3A_148, %mul3A_146] : memref<128x32768xf32, #tpu.memory_space<hbm>> -> memref<1x16xf32, #tpu.memory_space<hbm>>
      %dma_wait3A_760 = tpu.memref_squeeze %dma_wait3A_759 : memref<1x16xf32, #tpu.memory_space<hbm>> -> memref<16xf32, #tpu.memory_space<hbm>>
      %dma_wait3A_761 = arith.constant 48 : i32
      %dma_wait3A_762 = tpu.memref_slice %arg6[%dma_wait3A_761] : memref<256xf32, #tpu.memory_space<vmem>> -> memref<16xf32, #tpu.memory_space<vmem>>
      %dma_wait3A_763 = tpu.memref_slice %arg2[%add3A_148, %mul3A_146] : memref<128x32768xf32, #tpu.memory_space<hbm>> -> memref<1x16xf32, #tpu.memory_space<hbm>>
      %dma_wait3A_764 = tpu.memref_squeeze %dma_wait3A_763 : memref<1x16xf32, #tpu.memory_space<hbm>> -> memref<16xf32, #tpu.memory_space<hbm>>
      tpu.wait_dma2 semaphore(%arg8 : memref<!tpu.dma_semaphore, #tpu.memory_space<semaphore_mem>>) src(%dma_wait3A_764 : memref<16xf32, #tpu.memory_space<hbm>>) dst(%dma_wait3A_762 : memref<16xf32, #tpu.memory_space<vmem>>)
      %dma_wait3A_765 = arith.constant 64 : i32
      %dma_wait3A_766 = tpu.memref_slice %arg6[%dma_wait3A_765] : memref<256xf32, #tpu.memory_space<vmem>> -> memref<16xf32, #tpu.memory_space<vmem>>
      %dma_wait3A_767 = tpu.memref_slice %arg2[%add3A_186, %mul3A_184] : memref<128x32768xf32, #tpu.memory_space<hbm>> -> memref<1x16xf32, #tpu.memory_space<hbm>>
      %dma_wait3A_768 = tpu.memref_squeeze %dma_wait3A_767 : memref<1x16xf32, #tpu.memory_space<hbm>> -> memref<16xf32, #tpu.memory_space<hbm>>
      %dma_wait3A_769 = arith.constant 64 : i32
      %dma_wait3A_770 = tpu.memref_slice %arg6[%dma_wait3A_769] : memref<256xf32, #tpu.memory_space<vmem>> -> memref<16xf32, #tpu.memory_space<vmem>>
      %dma_wait3A_771 = tpu.memref_slice %arg2[%add3A_186, %mul3A_184] : memref<128x32768xf32, #tpu.memory_space<hbm>> -> memref<1x16xf32, #tpu.memory_space<hbm>>
      %dma_wait3A_772 = tpu.memref_squeeze %dma_wait3A_771 : memref<1x16xf32, #tpu.memory_space<hbm>> -> memref<16xf32, #tpu.memory_space<hbm>>
      tpu.wait_dma2 semaphore(%arg8 : memref<!tpu.dma_semaphore, #tpu.memory_space<semaphore_mem>>) src(%dma_wait3A_772 : memref<16xf32, #tpu.memory_space<hbm>>) dst(%dma_wait3A_770 : memref<16xf32, #tpu.memory_space<vmem>>)
      %dma_wait3A_773 = arith.constant 80 : i32
      %dma_wait3A_774 = tpu.memref_slice %arg6[%dma_wait3A_773] : memref<256xf32, #tpu.memory_space<vmem>> -> memref<16xf32, #tpu.memory_space<vmem>>
      %dma_wait3A_775 = tpu.memref_slice %arg2[%add3A_224, %mul3A_222] : memref<128x32768xf32, #tpu.memory_space<hbm>> -> memref<1x16xf32, #tpu.memory_space<hbm>>
      %dma_wait3A_776 = tpu.memref_squeeze %dma_wait3A_775 : memref<1x16xf32, #tpu.memory_space<hbm>> -> memref<16xf32, #tpu.memory_space<hbm>>
      %dma_wait3A_777 = arith.constant 80 : i32
      %dma_wait3A_778 = tpu.memref_slice %arg6[%dma_wait3A_777] : memref<256xf32, #tpu.memory_space<vmem>> -> memref<16xf32, #tpu.memory_space<vmem>>
      %dma_wait3A_779 = tpu.memref_slice %arg2[%add3A_224, %mul3A_222] : memref<128x32768xf32, #tpu.memory_space<hbm>> -> memref<1x16xf32, #tpu.memory_space<hbm>>
      %dma_wait3A_780 = tpu.memref_squeeze %dma_wait3A_779 : memref<1x16xf32, #tpu.memory_space<hbm>> -> memref<16xf32, #tpu.memory_space<hbm>>
      tpu.wait_dma2 semaphore(%arg8 : memref<!tpu.dma_semaphore, #tpu.memory_space<semaphore_mem>>) src(%dma_wait3A_780 : memref<16xf32, #tpu.memory_space<hbm>>) dst(%dma_wait3A_778 : memref<16xf32, #tpu.memory_space<vmem>>)
      %dma_wait3A_781 = arith.constant 96 : i32
      %dma_wait3A_782 = tpu.memref_slice %arg6[%dma_wait3A_781] : memref<256xf32, #tpu.memory_space<vmem>> -> memref<16xf32, #tpu.memory_space<vmem>>
      %dma_wait3A_783 = tpu.memref_slice %arg2[%add3A_262, %mul3A_260] : memref<128x32768xf32, #tpu.memory_space<hbm>> -> memref<1x16xf32, #tpu.memory_space<hbm>>
      %dma_wait3A_784 = tpu.memref_squeeze %dma_wait3A_783 : memref<1x16xf32, #tpu.memory_space<hbm>> -> memref<16xf32, #tpu.memory_space<hbm>>
      %dma_wait3A_785 = arith.constant 96 : i32
      %dma_wait3A_786 = tpu.memref_slice %arg6[%dma_wait3A_785] : memref<256xf32, #tpu.memory_space<vmem>> -> memref<16xf32, #tpu.memory_space<vmem>>
      %dma_wait3A_787 = tpu.memref_slice %arg2[%add3A_262, %mul3A_260] : memref<128x32768xf32, #tpu.memory_space<hbm>> -> memref<1x16xf32, #tpu.memory_space<hbm>>
      %dma_wait3A_788 = tpu.memref_squeeze %dma_wait3A_787 : memref<1x16xf32, #tpu.memory_space<hbm>> -> memref<16xf32, #tpu.memory_space<hbm>>
      tpu.wait_dma2 semaphore(%arg8 : memref<!tpu.dma_semaphore, #tpu.memory_space<semaphore_mem>>) src(%dma_wait3A_788 : memref<16xf32, #tpu.memory_space<hbm>>) dst(%dma_wait3A_786 : memref<16xf32, #tpu.memory_space<vmem>>)
      %dma_wait3A_789 = arith.constant 112 : i32
      %dma_wait3A_790 = tpu.memref_slice %arg6[%dma_wait3A_789] : memref<256xf32, #tpu.memory_space<vmem>> -> memref<16xf32, #tpu.memory_space<vmem>>
      %dma_wait3A_791 = tpu.memref_slice %arg2[%add3A_300, %mul3A_298] : memref<128x32768xf32, #tpu.memory_space<hbm>> -> memref<1x16xf32, #tpu.memory_space<hbm>>
      %dma_wait3A_792 = tpu.memref_squeeze %dma_wait3A_791 : memref<1x16xf32, #tpu.memory_space<hbm>> -> memref<16xf32, #tpu.memory_space<hbm>>
      %dma_wait3A_793 = arith.constant 112 : i32
      %dma_wait3A_794 = tpu.memref_slice %arg6[%dma_wait3A_793] : memref<256xf32, #tpu.memory_space<vmem>> -> memref<16xf32, #tpu.memory_space<vmem>>
      %dma_wait3A_795 = tpu.memref_slice %arg2[%add3A_300, %mul3A_298] : memref<128x32768xf32, #tpu.memory_space<hbm>> -> memref<1x16xf32, #tpu.memory_space<hbm>>
      %dma_wait3A_796 = tpu.memref_squeeze %dma_wait3A_795 : memref<1x16xf32, #tpu.memory_space<hbm>> -> memref<16xf32, #tpu.memory_space<hbm>>
      tpu.wait_dma2 semaphore(%arg8 : memref<!tpu.dma_semaphore, #tpu.memory_space<semaphore_mem>>) src(%dma_wait3A_796 : memref<16xf32, #tpu.memory_space<hbm>>) dst(%dma_wait3A_794 : memref<16xf32, #tpu.memory_space<vmem>>)
      %dma_wait3A_797 = arith.constant 128 : i32
      %dma_wait3A_798 = tpu.memref_slice %arg6[%dma_wait3A_797] : memref<256xf32, #tpu.memory_space<vmem>> -> memref<16xf32, #tpu.memory_space<vmem>>
      %dma_wait3A_799 = tpu.memref_slice %arg2[%add3A_338, %mul3A_336] : memref<128x32768xf32, #tpu.memory_space<hbm>> -> memref<1x16xf32, #tpu.memory_space<hbm>>
      %dma_wait3A_800 = tpu.memref_squeeze %dma_wait3A_799 : memref<1x16xf32, #tpu.memory_space<hbm>> -> memref<16xf32, #tpu.memory_space<hbm>>
      %dma_wait3A_801 = arith.constant 128 : i32
      %dma_wait3A_802 = tpu.memref_slice %arg6[%dma_wait3A_801] : memref<256xf32, #tpu.memory_space<vmem>> -> memref<16xf32, #tpu.memory_space<vmem>>
      %dma_wait3A_803 = tpu.memref_slice %arg2[%add3A_338, %mul3A_336] : memref<128x32768xf32, #tpu.memory_space<hbm>> -> memref<1x16xf32, #tpu.memory_space<hbm>>
      %dma_wait3A_804 = tpu.memref_squeeze %dma_wait3A_803 : memref<1x16xf32, #tpu.memory_space<hbm>> -> memref<16xf32, #tpu.memory_space<hbm>>
      tpu.wait_dma2 semaphore(%arg8 : memref<!tpu.dma_semaphore, #tpu.memory_space<semaphore_mem>>) src(%dma_wait3A_804 : memref<16xf32, #tpu.memory_space<hbm>>) dst(%dma_wait3A_802 : memref<16xf32, #tpu.memory_space<vmem>>)
      %dma_wait3A_805 = arith.constant 144 : i32
      %dma_wait3A_806 = tpu.memref_slice %arg6[%dma_wait3A_805] : memref<256xf32, #tpu.memory_space<vmem>> -> memref<16xf32, #tpu.memory_space<vmem>>
      %dma_wait3A_807 = tpu.memref_slice %arg2[%add3A_376, %mul3A_374] : memref<128x32768xf32, #tpu.memory_space<hbm>> -> memref<1x16xf32, #tpu.memory_space<hbm>>
      %dma_wait3A_808 = tpu.memref_squeeze %dma_wait3A_807 : memref<1x16xf32, #tpu.memory_space<hbm>> -> memref<16xf32, #tpu.memory_space<hbm>>
      %dma_wait3A_809 = arith.constant 144 : i32
      %dma_wait3A_810 = tpu.memref_slice %arg6[%dma_wait3A_809] : memref<256xf32, #tpu.memory_space<vmem>> -> memref<16xf32, #tpu.memory_space<vmem>>
      %dma_wait3A_811 = tpu.memref_slice %arg2[%add3A_376, %mul3A_374] : memref<128x32768xf32, #tpu.memory_space<hbm>> -> memref<1x16xf32, #tpu.memory_space<hbm>>
      %dma_wait3A_812 = tpu.memref_squeeze %dma_wait3A_811 : memref<1x16xf32, #tpu.memory_space<hbm>> -> memref<16xf32, #tpu.memory_space<hbm>>
      tpu.wait_dma2 semaphore(%arg8 : memref<!tpu.dma_semaphore, #tpu.memory_space<semaphore_mem>>) src(%dma_wait3A_812 : memref<16xf32, #tpu.memory_space<hbm>>) dst(%dma_wait3A_810 : memref<16xf32, #tpu.memory_space<vmem>>)
      %dma_wait3A_813 = arith.constant 160 : i32
      %dma_wait3A_814 = tpu.memref_slice %arg6[%dma_wait3A_813] : memref<256xf32, #tpu.memory_space<vmem>> -> memref<16xf32, #tpu.memory_space<vmem>>
      %dma_wait3A_815 = tpu.memref_slice %arg2[%add3A_414, %mul3A_412] : memref<128x32768xf32, #tpu.memory_space<hbm>> -> memref<1x16xf32, #tpu.memory_space<hbm>>
      %dma_wait3A_816 = tpu.memref_squeeze %dma_wait3A_815 : memref<1x16xf32, #tpu.memory_space<hbm>> -> memref<16xf32, #tpu.memory_space<hbm>>
      %dma_wait3A_817 = arith.constant 160 : i32
      %dma_wait3A_818 = tpu.memref_slice %arg6[%dma_wait3A_817] : memref<256xf32, #tpu.memory_space<vmem>> -> memref<16xf32, #tpu.memory_space<vmem>>
      %dma_wait3A_819 = tpu.memref_slice %arg2[%add3A_414, %mul3A_412] : memref<128x32768xf32, #tpu.memory_space<hbm>> -> memref<1x16xf32, #tpu.memory_space<hbm>>
      %dma_wait3A_820 = tpu.memref_squeeze %dma_wait3A_819 : memref<1x16xf32, #tpu.memory_space<hbm>> -> memref<16xf32, #tpu.memory_space<hbm>>
      tpu.wait_dma2 semaphore(%arg8 : memref<!tpu.dma_semaphore, #tpu.memory_space<semaphore_mem>>) src(%dma_wait3A_820 : memref<16xf32, #tpu.memory_space<hbm>>) dst(%dma_wait3A_818 : memref<16xf32, #tpu.memory_space<vmem>>)
      %dma_wait3A_821 = arith.constant 176 : i32
      %dma_wait3A_822 = tpu.memref_slice %arg6[%dma_wait3A_821] : memref<256xf32, #tpu.memory_space<vmem>> -> memref<16xf32, #tpu.memory_space<vmem>>
      %dma_wait3A_823 = tpu.memref_slice %arg2[%add3A_452, %mul3A_450] : memref<128x32768xf32, #tpu.memory_space<hbm>> -> memref<1x16xf32, #tpu.memory_space<hbm>>
      %dma_wait3A_824 = tpu.memref_squeeze %dma_wait3A_823 : memref<1x16xf32, #tpu.memory_space<hbm>> -> memref<16xf32, #tpu.memory_space<hbm>>
      %dma_wait3A_825 = arith.constant 176 : i32
      %dma_wait3A_826 = tpu.memref_slice %arg6[%dma_wait3A_825] : memref<256xf32, #tpu.memory_space<vmem>> -> memref<16xf32, #tpu.memory_space<vmem>>
      %dma_wait3A_827 = tpu.memref_slice %arg2[%add3A_452, %mul3A_450] : memref<128x32768xf32, #tpu.memory_space<hbm>> -> memref<1x16xf32, #tpu.memory_space<hbm>>
      %dma_wait3A_828 = tpu.memref_squeeze %dma_wait3A_827 : memref<1x16xf32, #tpu.memory_space<hbm>> -> memref<16xf32, #tpu.memory_space<hbm>>
      tpu.wait_dma2 semaphore(%arg8 : memref<!tpu.dma_semaphore, #tpu.memory_space<semaphore_mem>>) src(%dma_wait3A_828 : memref<16xf32, #tpu.memory_space<hbm>>) dst(%dma_wait3A_826 : memref<16xf32, #tpu.memory_space<vmem>>)
      %dma_wait3A_829 = arith.constant 192 : i32
      %dma_wait3A_830 = tpu.memref_slice %arg6[%dma_wait3A_829] : memref<256xf32, #tpu.memory_space<vmem>> -> memref<16xf32, #tpu.memory_space<vmem>>
      %dma_wait3A_831 = tpu.memref_slice %arg2[%add3A_490, %mul3A_488] : memref<128x32768xf32, #tpu.memory_space<hbm>> -> memref<1x16xf32, #tpu.memory_space<hbm>>
      %dma_wait3A_832 = tpu.memref_squeeze %dma_wait3A_831 : memref<1x16xf32, #tpu.memory_space<hbm>> -> memref<16xf32, #tpu.memory_space<hbm>>
      %dma_wait3A_833 = arith.constant 192 : i32
      %dma_wait3A_834 = tpu.memref_slice %arg6[%dma_wait3A_833] : memref<256xf32, #tpu.memory_space<vmem>> -> memref<16xf32, #tpu.memory_space<vmem>>
      %dma_wait3A_835 = tpu.memref_slice %arg2[%add3A_490, %mul3A_488] : memref<128x32768xf32, #tpu.memory_space<hbm>> -> memref<1x16xf32, #tpu.memory_space<hbm>>
      %dma_wait3A_836 = tpu.memref_squeeze %dma_wait3A_835 : memref<1x16xf32, #tpu.memory_space<hbm>> -> memref<16xf32, #tpu.memory_space<hbm>>
      tpu.wait_dma2 semaphore(%arg8 : memref<!tpu.dma_semaphore, #tpu.memory_space<semaphore_mem>>) src(%dma_wait3A_836 : memref<16xf32, #tpu.memory_space<hbm>>) dst(%dma_wait3A_834 : memref<16xf32, #tpu.memory_space<vmem>>)
      %dma_wait3A_837 = arith.constant 208 : i32
      %dma_wait3A_838 = tpu.memref_slice %arg6[%dma_wait3A_837] : memref<256xf32, #tpu.memory_space<vmem>> -> memref<16xf32, #tpu.memory_space<vmem>>
      %dma_wait3A_839 = tpu.memref_slice %arg2[%add3A_528, %mul3A_526] : memref<128x32768xf32, #tpu.memory_space<hbm>> -> memref<1x16xf32, #tpu.memory_space<hbm>>
      %dma_wait3A_840 = tpu.memref_squeeze %dma_wait3A_839 : memref<1x16xf32, #tpu.memory_space<hbm>> -> memref<16xf32, #tpu.memory_space<hbm>>
      %dma_wait3A_841 = arith.constant 208 : i32
      %dma_wait3A_842 = tpu.memref_slice %arg6[%dma_wait3A_841] : memref<256xf32, #tpu.memory_space<vmem>> -> memref<16xf32, #tpu.memory_space<vmem>>
      %dma_wait3A_843 = tpu.memref_slice %arg2[%add3A_528, %mul3A_526] : memref<128x32768xf32, #tpu.memory_space<hbm>> -> memref<1x16xf32, #tpu.memory_space<hbm>>
      %dma_wait3A_844 = tpu.memref_squeeze %dma_wait3A_843 : memref<1x16xf32, #tpu.memory_space<hbm>> -> memref<16xf32, #tpu.memory_space<hbm>>
      tpu.wait_dma2 semaphore(%arg8 : memref<!tpu.dma_semaphore, #tpu.memory_space<semaphore_mem>>) src(%dma_wait3A_844 : memref<16xf32, #tpu.memory_space<hbm>>) dst(%dma_wait3A_842 : memref<16xf32, #tpu.memory_space<vmem>>)
      %dma_wait3A_845 = arith.constant 224 : i32
      %dma_wait3A_846 = tpu.memref_slice %arg6[%dma_wait3A_845] : memref<256xf32, #tpu.memory_space<vmem>> -> memref<16xf32, #tpu.memory_space<vmem>>
      %dma_wait3A_847 = tpu.memref_slice %arg2[%add3A_566, %mul3A_564] : memref<128x32768xf32, #tpu.memory_space<hbm>> -> memref<1x16xf32, #tpu.memory_space<hbm>>
      %dma_wait3A_848 = tpu.memref_squeeze %dma_wait3A_847 : memref<1x16xf32, #tpu.memory_space<hbm>> -> memref<16xf32, #tpu.memory_space<hbm>>
      %dma_wait3A_849 = arith.constant 224 : i32
      %dma_wait3A_850 = tpu.memref_slice %arg6[%dma_wait3A_849] : memref<256xf32, #tpu.memory_space<vmem>> -> memref<16xf32, #tpu.memory_space<vmem>>
      %dma_wait3A_851 = tpu.memref_slice %arg2[%add3A_566, %mul3A_564] : memref<128x32768xf32, #tpu.memory_space<hbm>> -> memref<1x16xf32, #tpu.memory_space<hbm>>
      %dma_wait3A_852 = tpu.memref_squeeze %dma_wait3A_851 : memref<1x16xf32, #tpu.memory_space<hbm>> -> memref<16xf32, #tpu.memory_space<hbm>>
      tpu.wait_dma2 semaphore(%arg8 : memref<!tpu.dma_semaphore, #tpu.memory_space<semaphore_mem>>) src(%dma_wait3A_852 : memref<16xf32, #tpu.memory_space<hbm>>) dst(%dma_wait3A_850 : memref<16xf32, #tpu.memory_space<vmem>>)
      %dma_wait3A_853 = arith.constant 240 : i32
      %dma_wait3A_854 = tpu.memref_slice %arg6[%dma_wait3A_853] : memref<256xf32, #tpu.memory_space<vmem>> -> memref<16xf32, #tpu.memory_space<vmem>>
      %dma_wait3A_855 = tpu.memref_slice %arg2[%add3A_604, %mul3A_602] : memref<128x32768xf32, #tpu.memory_space<hbm>> -> memref<1x16xf32, #tpu.memory_space<hbm>>
      %dma_wait3A_856 = tpu.memref_squeeze %dma_wait3A_855 : memref<1x16xf32, #tpu.memory_space<hbm>> -> memref<16xf32, #tpu.memory_space<hbm>>
      %dma_wait3A_857 = arith.constant 240 : i32
      %dma_wait3A_858 = tpu.memref_slice %arg6[%dma_wait3A_857] : memref<256xf32, #tpu.memory_space<vmem>> -> memref<16xf32, #tpu.memory_space<vmem>>
      %dma_wait3A_859 = tpu.memref_slice %arg2[%add3A_604, %mul3A_602] : memref<128x32768xf32, #tpu.memory_space<hbm>> -> memref<1x16xf32, #tpu.memory_space<hbm>>
      %dma_wait3A_860 = tpu.memref_squeeze %dma_wait3A_859 : memref<1x16xf32, #tpu.memory_space<hbm>> -> memref<16xf32, #tpu.memory_space<hbm>>
      tpu.wait_dma2 semaphore(%arg8 : memref<!tpu.dma_semaphore, #tpu.memory_space<semaphore_mem>>) src(%dma_wait3A_860 : memref<16xf32, #tpu.memory_space<hbm>>) dst(%dma_wait3A_858 : memref<16xf32, #tpu.memory_space<vmem>>)
      %broadcast_in_dim3A_861 = arith.constant 0.000000e+00 : f32
      %broadcast_in_dim3A_862 = vector.broadcast %broadcast_in_dim3A_861 : f32 to vector<16xf32>
      %eq3A_863 = arith.constant 0 : i32
      %eq3A_864 = vector.broadcast %eq3A_863 : i32 to vector<16xi32>
      %eq3A_865 = arith.cmpi eq, %iota3A, %eq3A_864 : vector<16xi32>
      %jit3A_866 = arith.constant 0 : i32
      %broadcast_in_dim3A_867 = vector.broadcast %jit3A_866 : i32 to vector<16xi32>
      %select_n3A_868 = arith.select %eq3A_865, %get3A_7, %broadcast_in_dim3A_867 : vector<16xi1>, vector<16xi32>
      %reduce_sum3A_869 = arith.constant true
      %reduce_sum3A_870 = vector.broadcast %reduce_sum3A_869 : i1 to vector<16xi1>
      %reduce_sum3A_871 = tpu.scan <sum>, %select_n3A_868 masked %reduce_sum3A_870 : vector<16xi32>, vector<16xi1> -> vector<16xi32>
      %reduce_sum3A_872 = vector.extract %reduce_sum3A_871[15] : i32 from vector<16xi32>
      %get3A_873 = arith.constant 0 : index
      %get3A_874 = tpu.vector_load %arg6[%get3A_873] {strides = array<i32>} : memref<256xf32, #tpu.memory_space<vmem>>, vector<16xf32>,
      %jit3A_875 = arith.constant 16 : i32
      %eq3A_876 = arith.constant 0 : i32
      %eq3A_877 = arith.cmpi eq, %jit3A_875, %eq3A_876 : i32
      %jit3A_878 = arith.constant 1 : i32
      %select_n3A_879 = arith.select %eq3A_877, %jit3A_878, %jit3A_875 : i32
      %rem3A_880 = arith.remsi %reduce_sum3A_872, %select_n3A_879 : i32
      %ne3A_881 = arith.constant 0 : i32
      %ne3A_882 = arith.cmpi ne, %rem3A_880, %ne3A_881 : i32
      %lt3A_883 = arith.constant 0 : i32
      %lt3A_884 = arith.cmpi slt, %rem3A_880, %lt3A_883 : i32
      %lt3A_885 = arith.constant 0 : i32
      %lt3A_886 = arith.cmpi slt, %select_n3A_879, %lt3A_885 : i32
      %ne3A_887 = arith.xori %lt3A_884, %lt3A_886 : i1
      %and3A_888 = arith.andi %ne3A_887, %ne3A_882 : i1
      %add3A_889 = arith.addi %rem3A_880, %select_n3A_879 : i32
      %select_n3A_890 = arith.select %and3A_888, %add3A_889, %rem3A_880 : i32
      %eq3A_891 = vector.broadcast %select_n3A_890 : i32 to vector<16xi32>
      %eq3A_892 = arith.cmpi eq, %iota3A, %eq3A_891 : vector<16xi32>
      %jit3A_893 = arith.constant 0.000000e+00 : f32
      %broadcast_in_dim3A_894 = vector.broadcast %jit3A_893 : f32 to vector<16xf32>
      %select_n3A_895 = arith.select %eq3A_892, %get3A_874, %broadcast_in_dim3A_894 : vector<16xi1>, vector<16xf32>
      %reduce_sum3A_896 = arith.constant true
      %reduce_sum3A_897 = vector.broadcast %reduce_sum3A_896 : i1 to vector<16xi1>
      %reduce_sum3A_898 = tpu.scan <sum>, %select_n3A_895 masked %reduce_sum3A_897 : vector<16xf32>, vector<16xi1> -> vector<16xf32>
      %reduce_sum3A_899 = vector.extract %reduce_sum3A_898[15] : f32 from vector<16xf32>
      %eq3A_900 = arith.constant 0 : i32
      %eq3A_901 = vector.broadcast %eq3A_900 : i32 to vector<16xi32>
      %eq3A_902 = arith.cmpi eq, %iota3A, %eq3A_901 : vector<16xi32>
      %jit3A_903 = arith.constant 0.000000e+00 : f32
      %broadcast_in_dim3A_904 = vector.broadcast %reduce_sum3A_899 : f32 to vector<16xf32>
      %broadcast_in_dim3A_905 = vector.broadcast %jit3A_903 : f32 to vector<16xf32>
      %select_n3A_906 = arith.select %eq3A_902, %broadcast_in_dim3A_904, %broadcast_in_dim3A_905 : vector<16xi1>, vector<16xf32>
      %add3A_907 = arith.addf %broadcast_in_dim3A_862, %select_n3A_906 : vector<16xf32>
      %eq3A_908 = arith.constant 1 : i32
      %eq3A_909 = vector.broadcast %eq3A_908 : i32 to vector<16xi32>
      %eq3A_910 = arith.cmpi eq, %iota3A, %eq3A_909 : vector<16xi32>
      %jit3A_911 = arith.constant 0 : i32
      %broadcast_in_dim3A_912 = vector.broadcast %jit3A_911 : i32 to vector<16xi32>
      %select_n3A_913 = arith.select %eq3A_910, %get3A_7, %broadcast_in_dim3A_912 : vector<16xi1>, vector<16xi32>
      %reduce_sum3A_914 = arith.constant true
      %reduce_sum3A_915 = vector.broadcast %reduce_sum3A_914 : i1 to vector<16xi1>
      %reduce_sum3A_916 = tpu.scan <sum>, %select_n3A_913 masked %reduce_sum3A_915 : vector<16xi32>, vector<16xi1> -> vector<16xi32>
      %reduce_sum3A_917 = vector.extract %reduce_sum3A_916[15] : i32 from vector<16xi32>
      %get3A_918 = arith.constant 16 : index
      %get3A_919 = tpu.vector_load %arg6[%get3A_918] {strides = array<i32>} : memref<256xf32, #tpu.memory_space<vmem>>, vector<16xf32>,
      %jit3A_920 = arith.constant 16 : i32
      %eq3A_921 = arith.constant 0 : i32
      %eq3A_922 = arith.cmpi eq, %jit3A_920, %eq3A_921 : i32
      %jit3A_923 = arith.constant 1 : i32
      %select_n3A_924 = arith.select %eq3A_922, %jit3A_923, %jit3A_920 : i32
      %rem3A_925 = arith.remsi %reduce_sum3A_917, %select_n3A_924 : i32
      %ne3A_926 = arith.constant 0 : i32
      %ne3A_927 = arith.cmpi ne, %rem3A_925, %ne3A_926 : i32
      %lt3A_928 = arith.constant 0 : i32
      %lt3A_929 = arith.cmpi slt, %rem3A_925, %lt3A_928 : i32
      %lt3A_930 = arith.constant 0 : i32
      %lt3A_931 = arith.cmpi slt, %select_n3A_924, %lt3A_930 : i32
      %ne3A_932 = arith.xori %lt3A_929, %lt3A_931 : i1
      %and3A_933 = arith.andi %ne3A_932, %ne3A_927 : i1
      %add3A_934 = arith.addi %rem3A_925, %select_n3A_924 : i32
      %select_n3A_935 = arith.select %and3A_933, %add3A_934, %rem3A_925 : i32
      %eq3A_936 = vector.broadcast %select_n3A_935 : i32 to vector<16xi32>
      %eq3A_937 = arith.cmpi eq, %iota3A, %eq3A_936 : vector<16xi32>
      %jit3A_938 = arith.constant 0.000000e+00 : f32
      %broadcast_in_dim3A_939 = vector.broadcast %jit3A_938 : f32 to vector<16xf32>
      %select_n3A_940 = arith.select %eq3A_937, %get3A_919, %broadcast_in_dim3A_939 : vector<16xi1>, vector<16xf32>
      %reduce_sum3A_941 = arith.constant true
      %reduce_sum3A_942 = vector.broadcast %reduce_sum3A_941 : i1 to vector<16xi1>
      %reduce_sum3A_943 = tpu.scan <sum>, %select_n3A_940 masked %reduce_sum3A_942 : vector<16xf32>, vector<16xi1> -> vector<16xf32>
      %reduce_sum3A_944 = vector.extract %reduce_sum3A_943[15] : f32 from vector<16xf32>
      %eq3A_945 = arith.constant 1 : i32
      %eq3A_946 = vector.broadcast %eq3A_945 : i32 to vector<16xi32>
      %eq3A_947 = arith.cmpi eq, %iota3A, %eq3A_946 : vector<16xi32>
      %jit3A_948 = arith.constant 0.000000e+00 : f32
      %broadcast_in_dim3A_949 = vector.broadcast %reduce_sum3A_944 : f32 to vector<16xf32>
      %broadcast_in_dim3A_950 = vector.broadcast %jit3A_948 : f32 to vector<16xf32>
      %select_n3A_951 = arith.select %eq3A_947, %broadcast_in_dim3A_949, %broadcast_in_dim3A_950 : vector<16xi1>, vector<16xf32>
      %add3A_952 = arith.addf %add3A_907, %select_n3A_951 : vector<16xf32>
      %eq3A_953 = arith.constant 2 : i32
      %eq3A_954 = vector.broadcast %eq3A_953 : i32 to vector<16xi32>
      %eq3A_955 = arith.cmpi eq, %iota3A, %eq3A_954 : vector<16xi32>
      %jit3A_956 = arith.constant 0 : i32
      %broadcast_in_dim3A_957 = vector.broadcast %jit3A_956 : i32 to vector<16xi32>
      %select_n3A_958 = arith.select %eq3A_955, %get3A_7, %broadcast_in_dim3A_957 : vector<16xi1>, vector<16xi32>
      %reduce_sum3A_959 = arith.constant true
      %reduce_sum3A_960 = vector.broadcast %reduce_sum3A_959 : i1 to vector<16xi1>
      %reduce_sum3A_961 = tpu.scan <sum>, %select_n3A_958 masked %reduce_sum3A_960 : vector<16xi32>, vector<16xi1> -> vector<16xi32>
      %reduce_sum3A_962 = vector.extract %reduce_sum3A_961[15] : i32 from vector<16xi32>
      %get3A_963 = arith.constant 32 : index
      %get3A_964 = tpu.vector_load %arg6[%get3A_963] {strides = array<i32>} : memref<256xf32, #tpu.memory_space<vmem>>, vector<16xf32>,
      %jit3A_965 = arith.constant 16 : i32
      %eq3A_966 = arith.constant 0 : i32
      %eq3A_967 = arith.cmpi eq, %jit3A_965, %eq3A_966 : i32
      %jit3A_968 = arith.constant 1 : i32
      %select_n3A_969 = arith.select %eq3A_967, %jit3A_968, %jit3A_965 : i32
      %rem3A_970 = arith.remsi %reduce_sum3A_962, %select_n3A_969 : i32
      %ne3A_971 = arith.constant 0 : i32
      %ne3A_972 = arith.cmpi ne, %rem3A_970, %ne3A_971 : i32
      %lt3A_973 = arith.constant 0 : i32
      %lt3A_974 = arith.cmpi slt, %rem3A_970, %lt3A_973 : i32
      %lt3A_975 = arith.constant 0 : i32
      %lt3A_976 = arith.cmpi slt, %select_n3A_969, %lt3A_975 : i32
      %ne3A_977 = arith.xori %lt3A_974, %lt3A_976 : i1
      %and3A_978 = arith.andi %ne3A_977, %ne3A_972 : i1
      %add3A_979 = arith.addi %rem3A_970, %select_n3A_969 : i32
      %select_n3A_980 = arith.select %and3A_978, %add3A_979, %rem3A_970 : i32
      %eq3A_981 = vector.broadcast %select_n3A_980 : i32 to vector<16xi32>
      %eq3A_982 = arith.cmpi eq, %iota3A, %eq3A_981 : vector<16xi32>
      %jit3A_983 = arith.constant 0.000000e+00 : f32
      %broadcast_in_dim3A_984 = vector.broadcast %jit3A_983 : f32 to vector<16xf32>
      %select_n3A_985 = arith.select %eq3A_982, %get3A_964, %broadcast_in_dim3A_984 : vector<16xi1>, vector<16xf32>
      %reduce_sum3A_986 = arith.constant true
      %reduce_sum3A_987 = vector.broadcast %reduce_sum3A_986 : i1 to vector<16xi1>
      %reduce_sum3A_988 = tpu.scan <sum>, %select_n3A_985 masked %reduce_sum3A_987 : vector<16xf32>, vector<16xi1> -> vector<16xf32>
      %reduce_sum3A_989 = vector.extract %reduce_sum3A_988[15] : f32 from vector<16xf32>
      %eq3A_990 = arith.constant 2 : i32
      %eq3A_991 = vector.broadcast %eq3A_990 : i32 to vector<16xi32>
      %eq3A_992 = arith.cmpi eq, %iota3A, %eq3A_991 : vector<16xi32>
      %jit3A_993 = arith.constant 0.000000e+00 : f32
      %broadcast_in_dim3A_994 = vector.broadcast %reduce_sum3A_989 : f32 to vector<16xf32>
      %broadcast_in_dim3A_995 = vector.broadcast %jit3A_993 : f32 to vector<16xf32>
      %select_n3A_996 = arith.select %eq3A_992, %broadcast_in_dim3A_994, %broadcast_in_dim3A_995 : vector<16xi1>, vector<16xf32>
      %add3A_997 = arith.addf %add3A_952, %select_n3A_996 : vector<16xf32>
      %eq3A_998 = arith.constant 3 : i32
      %eq3A_999 = vector.broadcast %eq3A_998 : i32 to vector<16xi32>
      %eq3A_1000 = arith.cmpi eq, %iota3A, %eq3A_999 : vector<16xi32>
      %jit3A_1001 = arith.constant 0 : i32
      %broadcast_in_dim3A_1002 = vector.broadcast %jit3A_1001 : i32 to vector<16xi32>
      %select_n3A_1003 = arith.select %eq3A_1000, %get3A_7, %broadcast_in_dim3A_1002 : vector<16xi1>, vector<16xi32>
      %reduce_sum3A_1004 = arith.constant true
      %reduce_sum3A_1005 = vector.broadcast %reduce_sum3A_1004 : i1 to vector<16xi1>
      %reduce_sum3A_1006 = tpu.scan <sum>, %select_n3A_1003 masked %reduce_sum3A_1005 : vector<16xi32>, vector<16xi1> -> vector<16xi32>
      %reduce_sum3A_1007 = vector.extract %reduce_sum3A_1006[15] : i32 from vector<16xi32>
      %get3A_1008 = arith.constant 48 : index
      %get3A_1009 = tpu.vector_load %arg6[%get3A_1008] {strides = array<i32>} : memref<256xf32, #tpu.memory_space<vmem>>, vector<16xf32>,
      %jit3A_1010 = arith.constant 16 : i32
      %eq3A_1011 = arith.constant 0 : i32
      %eq3A_1012 = arith.cmpi eq, %jit3A_1010, %eq3A_1011 : i32
      %jit3A_1013 = arith.constant 1 : i32
      %select_n3A_1014 = arith.select %eq3A_1012, %jit3A_1013, %jit3A_1010 : i32
      %rem3A_1015 = arith.remsi %reduce_sum3A_1007, %select_n3A_1014 : i32
      %ne3A_1016 = arith.constant 0 : i32
      %ne3A_1017 = arith.cmpi ne, %rem3A_1015, %ne3A_1016 : i32
      %lt3A_1018 = arith.constant 0 : i32
      %lt3A_1019 = arith.cmpi slt, %rem3A_1015, %lt3A_1018 : i32
      %lt3A_1020 = arith.constant 0 : i32
      %lt3A_1021 = arith.cmpi slt, %select_n3A_1014, %lt3A_1020 : i32
      %ne3A_1022 = arith.xori %lt3A_1019, %lt3A_1021 : i1
      %and3A_1023 = arith.andi %ne3A_1022, %ne3A_1017 : i1
      %add3A_1024 = arith.addi %rem3A_1015, %select_n3A_1014 : i32
      %select_n3A_1025 = arith.select %and3A_1023, %add3A_1024, %rem3A_1015 : i32
      %eq3A_1026 = vector.broadcast %select_n3A_1025 : i32 to vector<16xi32>
      %eq3A_1027 = arith.cmpi eq, %iota3A, %eq3A_1026 : vector<16xi32>
      %jit3A_1028 = arith.constant 0.000000e+00 : f32
      %broadcast_in_dim3A_1029 = vector.broadcast %jit3A_1028 : f32 to vector<16xf32>
      %select_n3A_1030 = arith.select %eq3A_1027, %get3A_1009, %broadcast_in_dim3A_1029 : vector<16xi1>, vector<16xf32>
      %reduce_sum3A_1031 = arith.constant true
      %reduce_sum3A_1032 = vector.broadcast %reduce_sum3A_1031 : i1 to vector<16xi1>
      %reduce_sum3A_1033 = tpu.scan <sum>, %select_n3A_1030 masked %reduce_sum3A_1032 : vector<16xf32>, vector<16xi1> -> vector<16xf32>
      %reduce_sum3A_1034 = vector.extract %reduce_sum3A_1033[15] : f32 from vector<16xf32>
      %eq3A_1035 = arith.constant 3 : i32
      %eq3A_1036 = vector.broadcast %eq3A_1035 : i32 to vector<16xi32>
      %eq3A_1037 = arith.cmpi eq, %iota3A, %eq3A_1036 : vector<16xi32>
      %jit3A_1038 = arith.constant 0.000000e+00 : f32
      %broadcast_in_dim3A_1039 = vector.broadcast %reduce_sum3A_1034 : f32 to vector<16xf32>
      %broadcast_in_dim3A_1040 = vector.broadcast %jit3A_1038 : f32 to vector<16xf32>
      %select_n3A_1041 = arith.select %eq3A_1037, %broadcast_in_dim3A_1039, %broadcast_in_dim3A_1040 : vector<16xi1>, vector<16xf32>
      %add3A_1042 = arith.addf %add3A_997, %select_n3A_1041 : vector<16xf32>
      %eq3A_1043 = arith.constant 4 : i32
      %eq3A_1044 = vector.broadcast %eq3A_1043 : i32 to vector<16xi32>
      %eq3A_1045 = arith.cmpi eq, %iota3A, %eq3A_1044 : vector<16xi32>
      %jit3A_1046 = arith.constant 0 : i32
      %broadcast_in_dim3A_1047 = vector.broadcast %jit3A_1046 : i32 to vector<16xi32>
      %select_n3A_1048 = arith.select %eq3A_1045, %get3A_7, %broadcast_in_dim3A_1047 : vector<16xi1>, vector<16xi32>
      %reduce_sum3A_1049 = arith.constant true
      %reduce_sum3A_1050 = vector.broadcast %reduce_sum3A_1049 : i1 to vector<16xi1>
      %reduce_sum3A_1051 = tpu.scan <sum>, %select_n3A_1048 masked %reduce_sum3A_1050 : vector<16xi32>, vector<16xi1> -> vector<16xi32>
      %reduce_sum3A_1052 = vector.extract %reduce_sum3A_1051[15] : i32 from vector<16xi32>
      %get3A_1053 = arith.constant 64 : index
      %get3A_1054 = tpu.vector_load %arg6[%get3A_1053] {strides = array<i32>} : memref<256xf32, #tpu.memory_space<vmem>>, vector<16xf32>,
      %jit3A_1055 = arith.constant 16 : i32
      %eq3A_1056 = arith.constant 0 : i32
      %eq3A_1057 = arith.cmpi eq, %jit3A_1055, %eq3A_1056 : i32
      %jit3A_1058 = arith.constant 1 : i32
      %select_n3A_1059 = arith.select %eq3A_1057, %jit3A_1058, %jit3A_1055 : i32
      %rem3A_1060 = arith.remsi %reduce_sum3A_1052, %select_n3A_1059 : i32
      %ne3A_1061 = arith.constant 0 : i32
      %ne3A_1062 = arith.cmpi ne, %rem3A_1060, %ne3A_1061 : i32
      %lt3A_1063 = arith.constant 0 : i32
      %lt3A_1064 = arith.cmpi slt, %rem3A_1060, %lt3A_1063 : i32
      %lt3A_1065 = arith.constant 0 : i32
      %lt3A_1066 = arith.cmpi slt, %select_n3A_1059, %lt3A_1065 : i32
      %ne3A_1067 = arith.xori %lt3A_1064, %lt3A_1066 : i1
      %and3A_1068 = arith.andi %ne3A_1067, %ne3A_1062 : i1
      %add3A_1069 = arith.addi %rem3A_1060, %select_n3A_1059 : i32
      %select_n3A_1070 = arith.select %and3A_1068, %add3A_1069, %rem3A_1060 : i32
      %eq3A_1071 = vector.broadcast %select_n3A_1070 : i32 to vector<16xi32>
      %eq3A_1072 = arith.cmpi eq, %iota3A, %eq3A_1071 : vector<16xi32>
      %jit3A_1073 = arith.constant 0.000000e+00 : f32
      %broadcast_in_dim3A_1074 = vector.broadcast %jit3A_1073 : f32 to vector<16xf32>
      %select_n3A_1075 = arith.select %eq3A_1072, %get3A_1054, %broadcast_in_dim3A_1074 : vector<16xi1>, vector<16xf32>
      %reduce_sum3A_1076 = arith.constant true
      %reduce_sum3A_1077 = vector.broadcast %reduce_sum3A_1076 : i1 to vector<16xi1>
      %reduce_sum3A_1078 = tpu.scan <sum>, %select_n3A_1075 masked %reduce_sum3A_1077 : vector<16xf32>, vector<16xi1> -> vector<16xf32>
      %reduce_sum3A_1079 = vector.extract %reduce_sum3A_1078[15] : f32 from vector<16xf32>
      %eq3A_1080 = arith.constant 4 : i32
      %eq3A_1081 = vector.broadcast %eq3A_1080 : i32 to vector<16xi32>
      %eq3A_1082 = arith.cmpi eq, %iota3A, %eq3A_1081 : vector<16xi32>
      %jit3A_1083 = arith.constant 0.000000e+00 : f32
      %broadcast_in_dim3A_1084 = vector.broadcast %reduce_sum3A_1079 : f32 to vector<16xf32>
      %broadcast_in_dim3A_1085 = vector.broadcast %jit3A_1083 : f32 to vector<16xf32>
      %select_n3A_1086 = arith.select %eq3A_1082, %broadcast_in_dim3A_1084, %broadcast_in_dim3A_1085 : vector<16xi1>, vector<16xf32>
      %add3A_1087 = arith.addf %add3A_1042, %select_n3A_1086 : vector<16xf32>
      %eq3A_1088 = arith.constant 5 : i32
      %eq3A_1089 = vector.broadcast %eq3A_1088 : i32 to vector<16xi32>
      %eq3A_1090 = arith.cmpi eq, %iota3A, %eq3A_1089 : vector<16xi32>
      %jit3A_1091 = arith.constant 0 : i32
      %broadcast_in_dim3A_1092 = vector.broadcast %jit3A_1091 : i32 to vector<16xi32>
      %select_n3A_1093 = arith.select %eq3A_1090, %get3A_7, %broadcast_in_dim3A_1092 : vector<16xi1>, vector<16xi32>
      %reduce_sum3A_1094 = arith.constant true
      %reduce_sum3A_1095 = vector.broadcast %reduce_sum3A_1094 : i1 to vector<16xi1>
      %reduce_sum3A_1096 = tpu.scan <sum>, %select_n3A_1093 masked %reduce_sum3A_1095 : vector<16xi32>, vector<16xi1> -> vector<16xi32>
      %reduce_sum3A_1097 = vector.extract %reduce_sum3A_1096[15] : i32 from vector<16xi32>
      %get3A_1098 = arith.constant 80 : index
      %get3A_1099 = tpu.vector_load %arg6[%get3A_1098] {strides = array<i32>} : memref<256xf32, #tpu.memory_space<vmem>>, vector<16xf32>,
      %jit3A_1100 = arith.constant 16 : i32
      %eq3A_1101 = arith.constant 0 : i32
      %eq3A_1102 = arith.cmpi eq, %jit3A_1100, %eq3A_1101 : i32
      %jit3A_1103 = arith.constant 1 : i32
      %select_n3A_1104 = arith.select %eq3A_1102, %jit3A_1103, %jit3A_1100 : i32
      %rem3A_1105 = arith.remsi %reduce_sum3A_1097, %select_n3A_1104 : i32
      %ne3A_1106 = arith.constant 0 : i32
      %ne3A_1107 = arith.cmpi ne, %rem3A_1105, %ne3A_1106 : i32
      %lt3A_1108 = arith.constant 0 : i32
      %lt3A_1109 = arith.cmpi slt, %rem3A_1105, %lt3A_1108 : i32
      %lt3A_1110 = arith.constant 0 : i32
      %lt3A_1111 = arith.cmpi slt, %select_n3A_1104, %lt3A_1110 : i32
      %ne3A_1112 = arith.xori %lt3A_1109, %lt3A_1111 : i1
      %and3A_1113 = arith.andi %ne3A_1112, %ne3A_1107 : i1
      %add3A_1114 = arith.addi %rem3A_1105, %select_n3A_1104 : i32
      %select_n3A_1115 = arith.select %and3A_1113, %add3A_1114, %rem3A_1105 : i32
      %eq3A_1116 = vector.broadcast %select_n3A_1115 : i32 to vector<16xi32>
      %eq3A_1117 = arith.cmpi eq, %iota3A, %eq3A_1116 : vector<16xi32>
      %jit3A_1118 = arith.constant 0.000000e+00 : f32
      %broadcast_in_dim3A_1119 = vector.broadcast %jit3A_1118 : f32 to vector<16xf32>
      %select_n3A_1120 = arith.select %eq3A_1117, %get3A_1099, %broadcast_in_dim3A_1119 : vector<16xi1>, vector<16xf32>
      %reduce_sum3A_1121 = arith.constant true
      %reduce_sum3A_1122 = vector.broadcast %reduce_sum3A_1121 : i1 to vector<16xi1>
      %reduce_sum3A_1123 = tpu.scan <sum>, %select_n3A_1120 masked %reduce_sum3A_1122 : vector<16xf32>, vector<16xi1> -> vector<16xf32>
      %reduce_sum3A_1124 = vector.extract %reduce_sum3A_1123[15] : f32 from vector<16xf32>
      %eq3A_1125 = arith.constant 5 : i32
      %eq3A_1126 = vector.broadcast %eq3A_1125 : i32 to vector<16xi32>
      %eq3A_1127 = arith.cmpi eq, %iota3A, %eq3A_1126 : vector<16xi32>
      %jit3A_1128 = arith.constant 0.000000e+00 : f32
      %broadcast_in_dim3A_1129 = vector.broadcast %reduce_sum3A_1124 : f32 to vector<16xf32>
      %broadcast_in_dim3A_1130 = vector.broadcast %jit3A_1128 : f32 to vector<16xf32>
      %select_n3A_1131 = arith.select %eq3A_1127, %broadcast_in_dim3A_1129, %broadcast_in_dim3A_1130 : vector<16xi1>, vector<16xf32>
      %add3A_1132 = arith.addf %add3A_1087, %select_n3A_1131 : vector<16xf32>
      %eq3A_1133 = arith.constant 6 : i32
      %eq3A_1134 = vector.broadcast %eq3A_1133 : i32 to vector<16xi32>
      %eq3A_1135 = arith.cmpi eq, %iota3A, %eq3A_1134 : vector<16xi32>
      %jit3A_1136 = arith.constant 0 : i32
      %broadcast_in_dim3A_1137 = vector.broadcast %jit3A_1136 : i32 to vector<16xi32>
      %select_n3A_1138 = arith.select %eq3A_1135, %get3A_7, %broadcast_in_dim3A_1137 : vector<16xi1>, vector<16xi32>
      %reduce_sum3A_1139 = arith.constant true
      %reduce_sum3A_1140 = vector.broadcast %reduce_sum3A_1139 : i1 to vector<16xi1>
      %reduce_sum3A_1141 = tpu.scan <sum>, %select_n3A_1138 masked %reduce_sum3A_1140 : vector<16xi32>, vector<16xi1> -> vector<16xi32>
      %reduce_sum3A_1142 = vector.extract %reduce_sum3A_1141[15] : i32 from vector<16xi32>
      %get3A_1143 = arith.constant 96 : index
      %get3A_1144 = tpu.vector_load %arg6[%get3A_1143] {strides = array<i32>} : memref<256xf32, #tpu.memory_space<vmem>>, vector<16xf32>,
      %jit3A_1145 = arith.constant 16 : i32
      %eq3A_1146 = arith.constant 0 : i32
      %eq3A_1147 = arith.cmpi eq, %jit3A_1145, %eq3A_1146 : i32
      %jit3A_1148 = arith.constant 1 : i32
      %select_n3A_1149 = arith.select %eq3A_1147, %jit3A_1148, %jit3A_1145 : i32
      %rem3A_1150 = arith.remsi %reduce_sum3A_1142, %select_n3A_1149 : i32
      %ne3A_1151 = arith.constant 0 : i32
      %ne3A_1152 = arith.cmpi ne, %rem3A_1150, %ne3A_1151 : i32
      %lt3A_1153 = arith.constant 0 : i32
      %lt3A_1154 = arith.cmpi slt, %rem3A_1150, %lt3A_1153 : i32
      %lt3A_1155 = arith.constant 0 : i32
      %lt3A_1156 = arith.cmpi slt, %select_n3A_1149, %lt3A_1155 : i32
      %ne3A_1157 = arith.xori %lt3A_1154, %lt3A_1156 : i1
      %and3A_1158 = arith.andi %ne3A_1157, %ne3A_1152 : i1
      %add3A_1159 = arith.addi %rem3A_1150, %select_n3A_1149 : i32
      %select_n3A_1160 = arith.select %and3A_1158, %add3A_1159, %rem3A_1150 : i32
      %eq3A_1161 = vector.broadcast %select_n3A_1160 : i32 to vector<16xi32>
      %eq3A_1162 = arith.cmpi eq, %iota3A, %eq3A_1161 : vector<16xi32>
      %jit3A_1163 = arith.constant 0.000000e+00 : f32
      %broadcast_in_dim3A_1164 = vector.broadcast %jit3A_1163 : f32 to vector<16xf32>
      %select_n3A_1165 = arith.select %eq3A_1162, %get3A_1144, %broadcast_in_dim3A_1164 : vector<16xi1>, vector<16xf32>
      %reduce_sum3A_1166 = arith.constant true
      %reduce_sum3A_1167 = vector.broadcast %reduce_sum3A_1166 : i1 to vector<16xi1>
      %reduce_sum3A_1168 = tpu.scan <sum>, %select_n3A_1165 masked %reduce_sum3A_1167 : vector<16xf32>, vector<16xi1> -> vector<16xf32>
      %reduce_sum3A_1169 = vector.extract %reduce_sum3A_1168[15] : f32 from vector<16xf32>
      %eq3A_1170 = arith.constant 6 : i32
      %eq3A_1171 = vector.broadcast %eq3A_1170 : i32 to vector<16xi32>
      %eq3A_1172 = arith.cmpi eq, %iota3A, %eq3A_1171 : vector<16xi32>
      %jit3A_1173 = arith.constant 0.000000e+00 : f32
      %broadcast_in_dim3A_1174 = vector.broadcast %reduce_sum3A_1169 : f32 to vector<16xf32>
      %broadcast_in_dim3A_1175 = vector.broadcast %jit3A_1173 : f32 to vector<16xf32>
      %select_n3A_1176 = arith.select %eq3A_1172, %broadcast_in_dim3A_1174, %broadcast_in_dim3A_1175 : vector<16xi1>, vector<16xf32>
      %add3A_1177 = arith.addf %add3A_1132, %select_n3A_1176 : vector<16xf32>
      %eq3A_1178 = arith.constant 7 : i32
      %eq3A_1179 = vector.broadcast %eq3A_1178 : i32 to vector<16xi32>
      %eq3A_1180 = arith.cmpi eq, %iota3A, %eq3A_1179 : vector<16xi32>
      %jit3A_1181 = arith.constant 0 : i32
      %broadcast_in_dim3A_1182 = vector.broadcast %jit3A_1181 : i32 to vector<16xi32>
      %select_n3A_1183 = arith.select %eq3A_1180, %get3A_7, %broadcast_in_dim3A_1182 : vector<16xi1>, vector<16xi32>
      %reduce_sum3A_1184 = arith.constant true
      %reduce_sum3A_1185 = vector.broadcast %reduce_sum3A_1184 : i1 to vector<16xi1>
      %reduce_sum3A_1186 = tpu.scan <sum>, %select_n3A_1183 masked %reduce_sum3A_1185 : vector<16xi32>, vector<16xi1> -> vector<16xi32>
      %reduce_sum3A_1187 = vector.extract %reduce_sum3A_1186[15] : i32 from vector<16xi32>
      %get3A_1188 = arith.constant 112 : index
      %get3A_1189 = tpu.vector_load %arg6[%get3A_1188] {strides = array<i32>} : memref<256xf32, #tpu.memory_space<vmem>>, vector<16xf32>,
      %jit3A_1190 = arith.constant 16 : i32
      %eq3A_1191 = arith.constant 0 : i32
      %eq3A_1192 = arith.cmpi eq, %jit3A_1190, %eq3A_1191 : i32
      %jit3A_1193 = arith.constant 1 : i32
      %select_n3A_1194 = arith.select %eq3A_1192, %jit3A_1193, %jit3A_1190 : i32
      %rem3A_1195 = arith.remsi %reduce_sum3A_1187, %select_n3A_1194 : i32
      %ne3A_1196 = arith.constant 0 : i32
      %ne3A_1197 = arith.cmpi ne, %rem3A_1195, %ne3A_1196 : i32
      %lt3A_1198 = arith.constant 0 : i32
      %lt3A_1199 = arith.cmpi slt, %rem3A_1195, %lt3A_1198 : i32
      %lt3A_1200 = arith.constant 0 : i32
      %lt3A_1201 = arith.cmpi slt, %select_n3A_1194, %lt3A_1200 : i32
      %ne3A_1202 = arith.xori %lt3A_1199, %lt3A_1201 : i1
      %and3A_1203 = arith.andi %ne3A_1202, %ne3A_1197 : i1
      %add3A_1204 = arith.addi %rem3A_1195, %select_n3A_1194 : i32
      %select_n3A_1205 = arith.select %and3A_1203, %add3A_1204, %rem3A_1195 : i32
      %eq3A_1206 = vector.broadcast %select_n3A_1205 : i32 to vector<16xi32>
      %eq3A_1207 = arith.cmpi eq, %iota3A, %eq3A_1206 : vector<16xi32>
      %jit3A_1208 = arith.constant 0.000000e+00 : f32
      %broadcast_in_dim3A_1209 = vector.broadcast %jit3A_1208 : f32 to vector<16xf32>
      %select_n3A_1210 = arith.select %eq3A_1207, %get3A_1189, %broadcast_in_dim3A_1209 : vector<16xi1>, vector<16xf32>
      %reduce_sum3A_1211 = arith.constant true
      %reduce_sum3A_1212 = vector.broadcast %reduce_sum3A_1211 : i1 to vector<16xi1>
      %reduce_sum3A_1213 = tpu.scan <sum>, %select_n3A_1210 masked %reduce_sum3A_1212 : vector<16xf32>, vector<16xi1> -> vector<16xf32>
      %reduce_sum3A_1214 = vector.extract %reduce_sum3A_1213[15] : f32 from vector<16xf32>
      %eq3A_1215 = arith.constant 7 : i32
      %eq3A_1216 = vector.broadcast %eq3A_1215 : i32 to vector<16xi32>
      %eq3A_1217 = arith.cmpi eq, %iota3A, %eq3A_1216 : vector<16xi32>
      %jit3A_1218 = arith.constant 0.000000e+00 : f32
      %broadcast_in_dim3A_1219 = vector.broadcast %reduce_sum3A_1214 : f32 to vector<16xf32>
      %broadcast_in_dim3A_1220 = vector.broadcast %jit3A_1218 : f32 to vector<16xf32>
      %select_n3A_1221 = arith.select %eq3A_1217, %broadcast_in_dim3A_1219, %broadcast_in_dim3A_1220 : vector<16xi1>, vector<16xf32>
      %add3A_1222 = arith.addf %add3A_1177, %select_n3A_1221 : vector<16xf32>
      %eq3A_1223 = arith.constant 8 : i32
      %eq3A_1224 = vector.broadcast %eq3A_1223 : i32 to vector<16xi32>
      %eq3A_1225 = arith.cmpi eq, %iota3A, %eq3A_1224 : vector<16xi32>
      %jit3A_1226 = arith.constant 0 : i32
      %broadcast_in_dim3A_1227 = vector.broadcast %jit3A_1226 : i32 to vector<16xi32>
      %select_n3A_1228 = arith.select %eq3A_1225, %get3A_7, %broadcast_in_dim3A_1227 : vector<16xi1>, vector<16xi32>
      %reduce_sum3A_1229 = arith.constant true
      %reduce_sum3A_1230 = vector.broadcast %reduce_sum3A_1229 : i1 to vector<16xi1>
      %reduce_sum3A_1231 = tpu.scan <sum>, %select_n3A_1228 masked %reduce_sum3A_1230 : vector<16xi32>, vector<16xi1> -> vector<16xi32>
      %reduce_sum3A_1232 = vector.extract %reduce_sum3A_1231[15] : i32 from vector<16xi32>
      %get3A_1233 = arith.constant 128 : index
      %get3A_1234 = tpu.vector_load %arg6[%get3A_1233] {strides = array<i32>} : memref<256xf32, #tpu.memory_space<vmem>>, vector<16xf32>,
      %jit3A_1235 = arith.constant 16 : i32
      %eq3A_1236 = arith.constant 0 : i32
      %eq3A_1237 = arith.cmpi eq, %jit3A_1235, %eq3A_1236 : i32
      %jit3A_1238 = arith.constant 1 : i32
      %select_n3A_1239 = arith.select %eq3A_1237, %jit3A_1238, %jit3A_1235 : i32
      %rem3A_1240 = arith.remsi %reduce_sum3A_1232, %select_n3A_1239 : i32
      %ne3A_1241 = arith.constant 0 : i32
      %ne3A_1242 = arith.cmpi ne, %rem3A_1240, %ne3A_1241 : i32
      %lt3A_1243 = arith.constant 0 : i32
      %lt3A_1244 = arith.cmpi slt, %rem3A_1240, %lt3A_1243 : i32
      %lt3A_1245 = arith.constant 0 : i32
      %lt3A_1246 = arith.cmpi slt, %select_n3A_1239, %lt3A_1245 : i32
      %ne3A_1247 = arith.xori %lt3A_1244, %lt3A_1246 : i1
      %and3A_1248 = arith.andi %ne3A_1247, %ne3A_1242 : i1
      %add3A_1249 = arith.addi %rem3A_1240, %select_n3A_1239 : i32
      %select_n3A_1250 = arith.select %and3A_1248, %add3A_1249, %rem3A_1240 : i32
      %eq3A_1251 = vector.broadcast %select_n3A_1250 : i32 to vector<16xi32>
      %eq3A_1252 = arith.cmpi eq, %iota3A, %eq3A_1251 : vector<16xi32>
      %jit3A_1253 = arith.constant 0.000000e+00 : f32
      %broadcast_in_dim3A_1254 = vector.broadcast %jit3A_1253 : f32 to vector<16xf32>
      %select_n3A_1255 = arith.select %eq3A_1252, %get3A_1234, %broadcast_in_dim3A_1254 : vector<16xi1>, vector<16xf32>
      %reduce_sum3A_1256 = arith.constant true
      %reduce_sum3A_1257 = vector.broadcast %reduce_sum3A_1256 : i1 to vector<16xi1>
      %reduce_sum3A_1258 = tpu.scan <sum>, %select_n3A_1255 masked %reduce_sum3A_1257 : vector<16xf32>, vector<16xi1> -> vector<16xf32>
      %reduce_sum3A_1259 = vector.extract %reduce_sum3A_1258[15] : f32 from vector<16xf32>
      %eq3A_1260 = arith.constant 8 : i32
      %eq3A_1261 = vector.broadcast %eq3A_1260 : i32 to vector<16xi32>
      %eq3A_1262 = arith.cmpi eq, %iota3A, %eq3A_1261 : vector<16xi32>
      %jit3A_1263 = arith.constant 0.000000e+00 : f32
      %broadcast_in_dim3A_1264 = vector.broadcast %reduce_sum3A_1259 : f32 to vector<16xf32>
      %broadcast_in_dim3A_1265 = vector.broadcast %jit3A_1263 : f32 to vector<16xf32>
      %select_n3A_1266 = arith.select %eq3A_1262, %broadcast_in_dim3A_1264, %broadcast_in_dim3A_1265 : vector<16xi1>, vector<16xf32>
      %add3A_1267 = arith.addf %add3A_1222, %select_n3A_1266 : vector<16xf32>
      %eq3A_1268 = arith.constant 9 : i32
      %eq3A_1269 = vector.broadcast %eq3A_1268 : i32 to vector<16xi32>
      %eq3A_1270 = arith.cmpi eq, %iota3A, %eq3A_1269 : vector<16xi32>
      %jit3A_1271 = arith.constant 0 : i32
      %broadcast_in_dim3A_1272 = vector.broadcast %jit3A_1271 : i32 to vector<16xi32>
      %select_n3A_1273 = arith.select %eq3A_1270, %get3A_7, %broadcast_in_dim3A_1272 : vector<16xi1>, vector<16xi32>
      %reduce_sum3A_1274 = arith.constant true
      %reduce_sum3A_1275 = vector.broadcast %reduce_sum3A_1274 : i1 to vector<16xi1>
      %reduce_sum3A_1276 = tpu.scan <sum>, %select_n3A_1273 masked %reduce_sum3A_1275 : vector<16xi32>, vector<16xi1> -> vector<16xi32>
      %reduce_sum3A_1277 = vector.extract %reduce_sum3A_1276[15] : i32 from vector<16xi32>
      %get3A_1278 = arith.constant 144 : index
      %get3A_1279 = tpu.vector_load %arg6[%get3A_1278] {strides = array<i32>} : memref<256xf32, #tpu.memory_space<vmem>>, vector<16xf32>,
      %jit3A_1280 = arith.constant 16 : i32
      %eq3A_1281 = arith.constant 0 : i32
      %eq3A_1282 = arith.cmpi eq, %jit3A_1280, %eq3A_1281 : i32
      %jit3A_1283 = arith.constant 1 : i32
      %select_n3A_1284 = arith.select %eq3A_1282, %jit3A_1283, %jit3A_1280 : i32
      %rem3A_1285 = arith.remsi %reduce_sum3A_1277, %select_n3A_1284 : i32
      %ne3A_1286 = arith.constant 0 : i32
      %ne3A_1287 = arith.cmpi ne, %rem3A_1285, %ne3A_1286 : i32
      %lt3A_1288 = arith.constant 0 : i32
      %lt3A_1289 = arith.cmpi slt, %rem3A_1285, %lt3A_1288 : i32
      %lt3A_1290 = arith.constant 0 : i32
      %lt3A_1291 = arith.cmpi slt, %select_n3A_1284, %lt3A_1290 : i32
      %ne3A_1292 = arith.xori %lt3A_1289, %lt3A_1291 : i1
      %and3A_1293 = arith.andi %ne3A_1292, %ne3A_1287 : i1
      %add3A_1294 = arith.addi %rem3A_1285, %select_n3A_1284 : i32
      %select_n3A_1295 = arith.select %and3A_1293, %add3A_1294, %rem3A_1285 : i32
      %eq3A_1296 = vector.broadcast %select_n3A_1295 : i32 to vector<16xi32>
      %eq3A_1297 = arith.cmpi eq, %iota3A, %eq3A_1296 : vector<16xi32>
      %jit3A_1298 = arith.constant 0.000000e+00 : f32
      %broadcast_in_dim3A_1299 = vector.broadcast %jit3A_1298 : f32 to vector<16xf32>
      %select_n3A_1300 = arith.select %eq3A_1297, %get3A_1279, %broadcast_in_dim3A_1299 : vector<16xi1>, vector<16xf32>
      %reduce_sum3A_1301 = arith.constant true
      %reduce_sum3A_1302 = vector.broadcast %reduce_sum3A_1301 : i1 to vector<16xi1>
      %reduce_sum3A_1303 = tpu.scan <sum>, %select_n3A_1300 masked %reduce_sum3A_1302 : vector<16xf32>, vector<16xi1> -> vector<16xf32>
      %reduce_sum3A_1304 = vector.extract %reduce_sum3A_1303[15] : f32 from vector<16xf32>
      %eq3A_1305 = arith.constant 9 : i32
      %eq3A_1306 = vector.broadcast %eq3A_1305 : i32 to vector<16xi32>
      %eq3A_1307 = arith.cmpi eq, %iota3A, %eq3A_1306 : vector<16xi32>
      %jit3A_1308 = arith.constant 0.000000e+00 : f32
      %broadcast_in_dim3A_1309 = vector.broadcast %reduce_sum3A_1304 : f32 to vector<16xf32>
      %broadcast_in_dim3A_1310 = vector.broadcast %jit3A_1308 : f32 to vector<16xf32>
      %select_n3A_1311 = arith.select %eq3A_1307, %broadcast_in_dim3A_1309, %broadcast_in_dim3A_1310 : vector<16xi1>, vector<16xf32>
      %add3A_1312 = arith.addf %add3A_1267, %select_n3A_1311 : vector<16xf32>
      %eq3A_1313 = arith.constant 10 : i32
      %eq3A_1314 = vector.broadcast %eq3A_1313 : i32 to vector<16xi32>
      %eq3A_1315 = arith.cmpi eq, %iota3A, %eq3A_1314 : vector<16xi32>
      %jit3A_1316 = arith.constant 0 : i32
      %broadcast_in_dim3A_1317 = vector.broadcast %jit3A_1316 : i32 to vector<16xi32>
      %select_n3A_1318 = arith.select %eq3A_1315, %get3A_7, %broadcast_in_dim3A_1317 : vector<16xi1>, vector<16xi32>
      %reduce_sum3A_1319 = arith.constant true
      %reduce_sum3A_1320 = vector.broadcast %reduce_sum3A_1319 : i1 to vector<16xi1>
      %reduce_sum3A_1321 = tpu.scan <sum>, %select_n3A_1318 masked %reduce_sum3A_1320 : vector<16xi32>, vector<16xi1> -> vector<16xi32>
      %reduce_sum3A_1322 = vector.extract %reduce_sum3A_1321[15] : i32 from vector<16xi32>
      %get3A_1323 = arith.constant 160 : index
      %get3A_1324 = tpu.vector_load %arg6[%get3A_1323] {strides = array<i32>} : memref<256xf32, #tpu.memory_space<vmem>>, vector<16xf32>,
      %jit3A_1325 = arith.constant 16 : i32
      %eq3A_1326 = arith.constant 0 : i32
      %eq3A_1327 = arith.cmpi eq, %jit3A_1325, %eq3A_1326 : i32
      %jit3A_1328 = arith.constant 1 : i32
      %select_n3A_1329 = arith.select %eq3A_1327, %jit3A_1328, %jit3A_1325 : i32
      %rem3A_1330 = arith.remsi %reduce_sum3A_1322, %select_n3A_1329 : i32
      %ne3A_1331 = arith.constant 0 : i32
      %ne3A_1332 = arith.cmpi ne, %rem3A_1330, %ne3A_1331 : i32
      %lt3A_1333 = arith.constant 0 : i32
      %lt3A_1334 = arith.cmpi slt, %rem3A_1330, %lt3A_1333 : i32
      %lt3A_1335 = arith.constant 0 : i32
      %lt3A_1336 = arith.cmpi slt, %select_n3A_1329, %lt3A_1335 : i32
      %ne3A_1337 = arith.xori %lt3A_1334, %lt3A_1336 : i1
      %and3A_1338 = arith.andi %ne3A_1337, %ne3A_1332 : i1
      %add3A_1339 = arith.addi %rem3A_1330, %select_n3A_1329 : i32
      %select_n3A_1340 = arith.select %and3A_1338, %add3A_1339, %rem3A_1330 : i32
      %eq3A_1341 = vector.broadcast %select_n3A_1340 : i32 to vector<16xi32>
      %eq3A_1342 = arith.cmpi eq, %iota3A, %eq3A_1341 : vector<16xi32>
      %jit3A_1343 = arith.constant 0.000000e+00 : f32
      %broadcast_in_dim3A_1344 = vector.broadcast %jit3A_1343 : f32 to vector<16xf32>
      %select_n3A_1345 = arith.select %eq3A_1342, %get3A_1324, %broadcast_in_dim3A_1344 : vector<16xi1>, vector<16xf32>
      %reduce_sum3A_1346 = arith.constant true
      %reduce_sum3A_1347 = vector.broadcast %reduce_sum3A_1346 : i1 to vector<16xi1>
      %reduce_sum3A_1348 = tpu.scan <sum>, %select_n3A_1345 masked %reduce_sum3A_1347 : vector<16xf32>, vector<16xi1> -> vector<16xf32>
      %reduce_sum3A_1349 = vector.extract %reduce_sum3A_1348[15] : f32 from vector<16xf32>
      %eq3A_1350 = arith.constant 10 : i32
      %eq3A_1351 = vector.broadcast %eq3A_1350 : i32 to vector<16xi32>
      %eq3A_1352 = arith.cmpi eq, %iota3A, %eq3A_1351 : vector<16xi32>
      %jit3A_1353 = arith.constant 0.000000e+00 : f32
      %broadcast_in_dim3A_1354 = vector.broadcast %reduce_sum3A_1349 : f32 to vector<16xf32>
      %broadcast_in_dim3A_1355 = vector.broadcast %jit3A_1353 : f32 to vector<16xf32>
      %select_n3A_1356 = arith.select %eq3A_1352, %broadcast_in_dim3A_1354, %broadcast_in_dim3A_1355 : vector<16xi1>, vector<16xf32>
      %add3A_1357 = arith.addf %add3A_1312, %select_n3A_1356 : vector<16xf32>
      %eq3A_1358 = arith.constant 11 : i32
      %eq3A_1359 = vector.broadcast %eq3A_1358 : i32 to vector<16xi32>
      %eq3A_1360 = arith.cmpi eq, %iota3A, %eq3A_1359 : vector<16xi32>
      %jit3A_1361 = arith.constant 0 : i32
      %broadcast_in_dim3A_1362 = vector.broadcast %jit3A_1361 : i32 to vector<16xi32>
      %select_n3A_1363 = arith.select %eq3A_1360, %get3A_7, %broadcast_in_dim3A_1362 : vector<16xi1>, vector<16xi32>
      %reduce_sum3A_1364 = arith.constant true
      %reduce_sum3A_1365 = vector.broadcast %reduce_sum3A_1364 : i1 to vector<16xi1>
      %reduce_sum3A_1366 = tpu.scan <sum>, %select_n3A_1363 masked %reduce_sum3A_1365 : vector<16xi32>, vector<16xi1> -> vector<16xi32>
      %reduce_sum3A_1367 = vector.extract %reduce_sum3A_1366[15] : i32 from vector<16xi32>
      %get3A_1368 = arith.constant 176 : index
      %get3A_1369 = tpu.vector_load %arg6[%get3A_1368] {strides = array<i32>} : memref<256xf32, #tpu.memory_space<vmem>>, vector<16xf32>,
      %jit3A_1370 = arith.constant 16 : i32
      %eq3A_1371 = arith.constant 0 : i32
      %eq3A_1372 = arith.cmpi eq, %jit3A_1370, %eq3A_1371 : i32
      %jit3A_1373 = arith.constant 1 : i32
      %select_n3A_1374 = arith.select %eq3A_1372, %jit3A_1373, %jit3A_1370 : i32
      %rem3A_1375 = arith.remsi %reduce_sum3A_1367, %select_n3A_1374 : i32
      %ne3A_1376 = arith.constant 0 : i32
      %ne3A_1377 = arith.cmpi ne, %rem3A_1375, %ne3A_1376 : i32
      %lt3A_1378 = arith.constant 0 : i32
      %lt3A_1379 = arith.cmpi slt, %rem3A_1375, %lt3A_1378 : i32
      %lt3A_1380 = arith.constant 0 : i32
      %lt3A_1381 = arith.cmpi slt, %select_n3A_1374, %lt3A_1380 : i32
      %ne3A_1382 = arith.xori %lt3A_1379, %lt3A_1381 : i1
      %and3A_1383 = arith.andi %ne3A_1382, %ne3A_1377 : i1
      %add3A_1384 = arith.addi %rem3A_1375, %select_n3A_1374 : i32
      %select_n3A_1385 = arith.select %and3A_1383, %add3A_1384, %rem3A_1375 : i32
      %eq3A_1386 = vector.broadcast %select_n3A_1385 : i32 to vector<16xi32>
      %eq3A_1387 = arith.cmpi eq, %iota3A, %eq3A_1386 : vector<16xi32>
      %jit3A_1388 = arith.constant 0.000000e+00 : f32
      %broadcast_in_dim3A_1389 = vector.broadcast %jit3A_1388 : f32 to vector<16xf32>
      %select_n3A_1390 = arith.select %eq3A_1387, %get3A_1369, %broadcast_in_dim3A_1389 : vector<16xi1>, vector<16xf32>
      %reduce_sum3A_1391 = arith.constant true
      %reduce_sum3A_1392 = vector.broadcast %reduce_sum3A_1391 : i1 to vector<16xi1>
      %reduce_sum3A_1393 = tpu.scan <sum>, %select_n3A_1390 masked %reduce_sum3A_1392 : vector<16xf32>, vector<16xi1> -> vector<16xf32>
      %reduce_sum3A_1394 = vector.extract %reduce_sum3A_1393[15] : f32 from vector<16xf32>
      %eq3A_1395 = arith.constant 11 : i32
      %eq3A_1396 = vector.broadcast %eq3A_1395 : i32 to vector<16xi32>
      %eq3A_1397 = arith.cmpi eq, %iota3A, %eq3A_1396 : vector<16xi32>
      %jit3A_1398 = arith.constant 0.000000e+00 : f32
      %broadcast_in_dim3A_1399 = vector.broadcast %reduce_sum3A_1394 : f32 to vector<16xf32>
      %broadcast_in_dim3A_1400 = vector.broadcast %jit3A_1398 : f32 to vector<16xf32>
      %select_n3A_1401 = arith.select %eq3A_1397, %broadcast_in_dim3A_1399, %broadcast_in_dim3A_1400 : vector<16xi1>, vector<16xf32>
      %add3A_1402 = arith.addf %add3A_1357, %select_n3A_1401 : vector<16xf32>
      %eq3A_1403 = arith.constant 12 : i32
      %eq3A_1404 = vector.broadcast %eq3A_1403 : i32 to vector<16xi32>
      %eq3A_1405 = arith.cmpi eq, %iota3A, %eq3A_1404 : vector<16xi32>
      %jit3A_1406 = arith.constant 0 : i32
      %broadcast_in_dim3A_1407 = vector.broadcast %jit3A_1406 : i32 to vector<16xi32>
      %select_n3A_1408 = arith.select %eq3A_1405, %get3A_7, %broadcast_in_dim3A_1407 : vector<16xi1>, vector<16xi32>
      %reduce_sum3A_1409 = arith.constant true
      %reduce_sum3A_1410 = vector.broadcast %reduce_sum3A_1409 : i1 to vector<16xi1>
      %reduce_sum3A_1411 = tpu.scan <sum>, %select_n3A_1408 masked %reduce_sum3A_1410 : vector<16xi32>, vector<16xi1> -> vector<16xi32>
      %reduce_sum3A_1412 = vector.extract %reduce_sum3A_1411[15] : i32 from vector<16xi32>
      %get3A_1413 = arith.constant 192 : index
      %get3A_1414 = tpu.vector_load %arg6[%get3A_1413] {strides = array<i32>} : memref<256xf32, #tpu.memory_space<vmem>>, vector<16xf32>,
      %jit3A_1415 = arith.constant 16 : i32
      %eq3A_1416 = arith.constant 0 : i32
      %eq3A_1417 = arith.cmpi eq, %jit3A_1415, %eq3A_1416 : i32
      %jit3A_1418 = arith.constant 1 : i32
      %select_n3A_1419 = arith.select %eq3A_1417, %jit3A_1418, %jit3A_1415 : i32
      %rem3A_1420 = arith.remsi %reduce_sum3A_1412, %select_n3A_1419 : i32
      %ne3A_1421 = arith.constant 0 : i32
      %ne3A_1422 = arith.cmpi ne, %rem3A_1420, %ne3A_1421 : i32
      %lt3A_1423 = arith.constant 0 : i32
      %lt3A_1424 = arith.cmpi slt, %rem3A_1420, %lt3A_1423 : i32
      %lt3A_1425 = arith.constant 0 : i32
      %lt3A_1426 = arith.cmpi slt, %select_n3A_1419, %lt3A_1425 : i32
      %ne3A_1427 = arith.xori %lt3A_1424, %lt3A_1426 : i1
      %and3A_1428 = arith.andi %ne3A_1427, %ne3A_1422 : i1
      %add3A_1429 = arith.addi %rem3A_1420, %select_n3A_1419 : i32
      %select_n3A_1430 = arith.select %and3A_1428, %add3A_1429, %rem3A_1420 : i32
      %eq3A_1431 = vector.broadcast %select_n3A_1430 : i32 to vector<16xi32>
      %eq3A_1432 = arith.cmpi eq, %iota3A, %eq3A_1431 : vector<16xi32>
      %jit3A_1433 = arith.constant 0.000000e+00 : f32
      %broadcast_in_dim3A_1434 = vector.broadcast %jit3A_1433 : f32 to vector<16xf32>
      %select_n3A_1435 = arith.select %eq3A_1432, %get3A_1414, %broadcast_in_dim3A_1434 : vector<16xi1>, vector<16xf32>
      %reduce_sum3A_1436 = arith.constant true
      %reduce_sum3A_1437 = vector.broadcast %reduce_sum3A_1436 : i1 to vector<16xi1>
      %reduce_sum3A_1438 = tpu.scan <sum>, %select_n3A_1435 masked %reduce_sum3A_1437 : vector<16xf32>, vector<16xi1> -> vector<16xf32>
      %reduce_sum3A_1439 = vector.extract %reduce_sum3A_1438[15] : f32 from vector<16xf32>
      %eq3A_1440 = arith.constant 12 : i32
      %eq3A_1441 = vector.broadcast %eq3A_1440 : i32 to vector<16xi32>
      %eq3A_1442 = arith.cmpi eq, %iota3A, %eq3A_1441 : vector<16xi32>
      %jit3A_1443 = arith.constant 0.000000e+00 : f32
      %broadcast_in_dim3A_1444 = vector.broadcast %reduce_sum3A_1439 : f32 to vector<16xf32>
      %broadcast_in_dim3A_1445 = vector.broadcast %jit3A_1443 : f32 to vector<16xf32>
      %select_n3A_1446 = arith.select %eq3A_1442, %broadcast_in_dim3A_1444, %broadcast_in_dim3A_1445 : vector<16xi1>, vector<16xf32>
      %add3A_1447 = arith.addf %add3A_1402, %select_n3A_1446 : vector<16xf32>
      %eq3A_1448 = arith.constant 13 : i32
      %eq3A_1449 = vector.broadcast %eq3A_1448 : i32 to vector<16xi32>
      %eq3A_1450 = arith.cmpi eq, %iota3A, %eq3A_1449 : vector<16xi32>
      %jit3A_1451 = arith.constant 0 : i32
      %broadcast_in_dim3A_1452 = vector.broadcast %jit3A_1451 : i32 to vector<16xi32>
      %select_n3A_1453 = arith.select %eq3A_1450, %get3A_7, %broadcast_in_dim3A_1452 : vector<16xi1>, vector<16xi32>
      %reduce_sum3A_1454 = arith.constant true
      %reduce_sum3A_1455 = vector.broadcast %reduce_sum3A_1454 : i1 to vector<16xi1>
      %reduce_sum3A_1456 = tpu.scan <sum>, %select_n3A_1453 masked %reduce_sum3A_1455 : vector<16xi32>, vector<16xi1> -> vector<16xi32>
      %reduce_sum3A_1457 = vector.extract %reduce_sum3A_1456[15] : i32 from vector<16xi32>
      %get3A_1458 = arith.constant 208 : index
      %get3A_1459 = tpu.vector_load %arg6[%get3A_1458] {strides = array<i32>} : memref<256xf32, #tpu.memory_space<vmem>>, vector<16xf32>,
      %jit3A_1460 = arith.constant 16 : i32
      %eq3A_1461 = arith.constant 0 : i32
      %eq3A_1462 = arith.cmpi eq, %jit3A_1460, %eq3A_1461 : i32
      %jit3A_1463 = arith.constant 1 : i32
      %select_n3A_1464 = arith.select %eq3A_1462, %jit3A_1463, %jit3A_1460 : i32
      %rem3A_1465 = arith.remsi %reduce_sum3A_1457, %select_n3A_1464 : i32
      %ne3A_1466 = arith.constant 0 : i32
      %ne3A_1467 = arith.cmpi ne, %rem3A_1465, %ne3A_1466 : i32
      %lt3A_1468 = arith.constant 0 : i32
      %lt3A_1469 = arith.cmpi slt, %rem3A_1465, %lt3A_1468 : i32
      %lt3A_1470 = arith.constant 0 : i32
      %lt3A_1471 = arith.cmpi slt, %select_n3A_1464, %lt3A_1470 : i32
      %ne3A_1472 = arith.xori %lt3A_1469, %lt3A_1471 : i1
      %and3A_1473 = arith.andi %ne3A_1472, %ne3A_1467 : i1
      %add3A_1474 = arith.addi %rem3A_1465, %select_n3A_1464 : i32
      %select_n3A_1475 = arith.select %and3A_1473, %add3A_1474, %rem3A_1465 : i32
      %eq3A_1476 = vector.broadcast %select_n3A_1475 : i32 to vector<16xi32>
      %eq3A_1477 = arith.cmpi eq, %iota3A, %eq3A_1476 : vector<16xi32>
      %jit3A_1478 = arith.constant 0.000000e+00 : f32
      %broadcast_in_dim3A_1479 = vector.broadcast %jit3A_1478 : f32 to vector<16xf32>
      %select_n3A_1480 = arith.select %eq3A_1477, %get3A_1459, %broadcast_in_dim3A_1479 : vector<16xi1>, vector<16xf32>
      %reduce_sum3A_1481 = arith.constant true
      %reduce_sum3A_1482 = vector.broadcast %reduce_sum3A_1481 : i1 to vector<16xi1>
      %reduce_sum3A_1483 = tpu.scan <sum>, %select_n3A_1480 masked %reduce_sum3A_1482 : vector<16xf32>, vector<16xi1> -> vector<16xf32>
      %reduce_sum3A_1484 = vector.extract %reduce_sum3A_1483[15] : f32 from vector<16xf32>
      %eq3A_1485 = arith.constant 13 : i32
      %eq3A_1486 = vector.broadcast %eq3A_1485 : i32 to vector<16xi32>
      %eq3A_1487 = arith.cmpi eq, %iota3A, %eq3A_1486 : vector<16xi32>
      %jit3A_1488 = arith.constant 0.000000e+00 : f32
      %broadcast_in_dim3A_1489 = vector.broadcast %reduce_sum3A_1484 : f32 to vector<16xf32>
      %broadcast_in_dim3A_1490 = vector.broadcast %jit3A_1488 : f32 to vector<16xf32>
      %select_n3A_1491 = arith.select %eq3A_1487, %broadcast_in_dim3A_1489, %broadcast_in_dim3A_1490 : vector<16xi1>, vector<16xf32>
      %add3A_1492 = arith.addf %add3A_1447, %select_n3A_1491 : vector<16xf32>
      %eq3A_1493 = arith.constant 14 : i32
      %eq3A_1494 = vector.broadcast %eq3A_1493 : i32 to vector<16xi32>
      %eq3A_1495 = arith.cmpi eq, %iota3A, %eq3A_1494 : vector<16xi32>
      %jit3A_1496 = arith.constant 0 : i32
      %broadcast_in_dim3A_1497 = vector.broadcast %jit3A_1496 : i32 to vector<16xi32>
      %select_n3A_1498 = arith.select %eq3A_1495, %get3A_7, %broadcast_in_dim3A_1497 : vector<16xi1>, vector<16xi32>
      %reduce_sum3A_1499 = arith.constant true
      %reduce_sum3A_1500 = vector.broadcast %reduce_sum3A_1499 : i1 to vector<16xi1>
      %reduce_sum3A_1501 = tpu.scan <sum>, %select_n3A_1498 masked %reduce_sum3A_1500 : vector<16xi32>, vector<16xi1> -> vector<16xi32>
      %reduce_sum3A_1502 = vector.extract %reduce_sum3A_1501[15] : i32 from vector<16xi32>
      %get3A_1503 = arith.constant 224 : index
      %get3A_1504 = tpu.vector_load %arg6[%get3A_1503] {strides = array<i32>} : memref<256xf32, #tpu.memory_space<vmem>>, vector<16xf32>,
      %jit3A_1505 = arith.constant 16 : i32
      %eq3A_1506 = arith.constant 0 : i32
      %eq3A_1507 = arith.cmpi eq, %jit3A_1505, %eq3A_1506 : i32
      %jit3A_1508 = arith.constant 1 : i32
      %select_n3A_1509 = arith.select %eq3A_1507, %jit3A_1508, %jit3A_1505 : i32
      %rem3A_1510 = arith.remsi %reduce_sum3A_1502, %select_n3A_1509 : i32
      %ne3A_1511 = arith.constant 0 : i32
      %ne3A_1512 = arith.cmpi ne, %rem3A_1510, %ne3A_1511 : i32
      %lt3A_1513 = arith.constant 0 : i32
      %lt3A_1514 = arith.cmpi slt, %rem3A_1510, %lt3A_1513 : i32
      %lt3A_1515 = arith.constant 0 : i32
      %lt3A_1516 = arith.cmpi slt, %select_n3A_1509, %lt3A_1515 : i32
      %ne3A_1517 = arith.xori %lt3A_1514, %lt3A_1516 : i1
      %and3A_1518 = arith.andi %ne3A_1517, %ne3A_1512 : i1
      %add3A_1519 = arith.addi %rem3A_1510, %select_n3A_1509 : i32
      %select_n3A_1520 = arith.select %and3A_1518, %add3A_1519, %rem3A_1510 : i32
      %eq3A_1521 = vector.broadcast %select_n3A_1520 : i32 to vector<16xi32>
      %eq3A_1522 = arith.cmpi eq, %iota3A, %eq3A_1521 : vector<16xi32>
      %jit3A_1523 = arith.constant 0.000000e+00 : f32
      %broadcast_in_dim3A_1524 = vector.broadcast %jit3A_1523 : f32 to vector<16xf32>
      %select_n3A_1525 = arith.select %eq3A_1522, %get3A_1504, %broadcast_in_dim3A_1524 : vector<16xi1>, vector<16xf32>
      %reduce_sum3A_1526 = arith.constant true
      %reduce_sum3A_1527 = vector.broadcast %reduce_sum3A_1526 : i1 to vector<16xi1>
      %reduce_sum3A_1528 = tpu.scan <sum>, %select_n3A_1525 masked %reduce_sum3A_1527 : vector<16xf32>, vector<16xi1> -> vector<16xf32>
      %reduce_sum3A_1529 = vector.extract %reduce_sum3A_1528[15] : f32 from vector<16xf32>
      %eq3A_1530 = arith.constant 14 : i32
      %eq3A_1531 = vector.broadcast %eq3A_1530 : i32 to vector<16xi32>
      %eq3A_1532 = arith.cmpi eq, %iota3A, %eq3A_1531 : vector<16xi32>
      %jit3A_1533 = arith.constant 0.000000e+00 : f32
      %broadcast_in_dim3A_1534 = vector.broadcast %reduce_sum3A_1529 : f32 to vector<16xf32>
      %broadcast_in_dim3A_1535 = vector.broadcast %jit3A_1533 : f32 to vector<16xf32>
      %select_n3A_1536 = arith.select %eq3A_1532, %broadcast_in_dim3A_1534, %broadcast_in_dim3A_1535 : vector<16xi1>, vector<16xf32>
      %add3A_1537 = arith.addf %add3A_1492, %select_n3A_1536 : vector<16xf32>
      %eq3A_1538 = arith.constant 15 : i32
      %eq3A_1539 = vector.broadcast %eq3A_1538 : i32 to vector<16xi32>
      %eq3A_1540 = arith.cmpi eq, %iota3A, %eq3A_1539 : vector<16xi32>
      %jit3A_1541 = arith.constant 0 : i32
      %broadcast_in_dim3A_1542 = vector.broadcast %jit3A_1541 : i32 to vector<16xi32>
      %select_n3A_1543 = arith.select %eq3A_1540, %get3A_7, %broadcast_in_dim3A_1542 : vector<16xi1>, vector<16xi32>
      %reduce_sum3A_1544 = arith.constant true
      %reduce_sum3A_1545 = vector.broadcast %reduce_sum3A_1544 : i1 to vector<16xi1>
      %reduce_sum3A_1546 = tpu.scan <sum>, %select_n3A_1543 masked %reduce_sum3A_1545 : vector<16xi32>, vector<16xi1> -> vector<16xi32>
      %reduce_sum3A_1547 = vector.extract %reduce_sum3A_1546[15] : i32 from vector<16xi32>
      %get3A_1548 = arith.constant 240 : index
      %get3A_1549 = tpu.vector_load %arg6[%get3A_1548] {strides = array<i32>} : memref<256xf32, #tpu.memory_space<vmem>>, vector<16xf32>,
      %jit3A_1550 = arith.constant 16 : i32
      %eq3A_1551 = arith.constant 0 : i32
      %eq3A_1552 = arith.cmpi eq, %jit3A_1550, %eq3A_1551 : i32
      %jit3A_1553 = arith.constant 1 : i32
      %select_n3A_1554 = arith.select %eq3A_1552, %jit3A_1553, %jit3A_1550 : i32
      %rem3A_1555 = arith.remsi %reduce_sum3A_1547, %select_n3A_1554 : i32
      %ne3A_1556 = arith.constant 0 : i32
      %ne3A_1557 = arith.cmpi ne, %rem3A_1555, %ne3A_1556 : i32
      %lt3A_1558 = arith.constant 0 : i32
      %lt3A_1559 = arith.cmpi slt, %rem3A_1555, %lt3A_1558 : i32
      %lt3A_1560 = arith.constant 0 : i32
      %lt3A_1561 = arith.cmpi slt, %select_n3A_1554, %lt3A_1560 : i32
      %ne3A_1562 = arith.xori %lt3A_1559, %lt3A_1561 : i1
      %and3A_1563 = arith.andi %ne3A_1562, %ne3A_1557 : i1
      %add3A_1564 = arith.addi %rem3A_1555, %select_n3A_1554 : i32
      %select_n3A_1565 = arith.select %and3A_1563, %add3A_1564, %rem3A_1555 : i32
      %eq3A_1566 = vector.broadcast %select_n3A_1565 : i32 to vector<16xi32>
      %eq3A_1567 = arith.cmpi eq, %iota3A, %eq3A_1566 : vector<16xi32>
      %jit3A_1568 = arith.constant 0.000000e+00 : f32
      %broadcast_in_dim3A_1569 = vector.broadcast %jit3A_1568 : f32 to vector<16xf32>
      %select_n3A_1570 = arith.select %eq3A_1567, %get3A_1549, %broadcast_in_dim3A_1569 : vector<16xi1>, vector<16xf32>
      %reduce_sum3A_1571 = arith.constant true
      %reduce_sum3A_1572 = vector.broadcast %reduce_sum3A_1571 : i1 to vector<16xi1>
      %reduce_sum3A_1573 = tpu.scan <sum>, %select_n3A_1570 masked %reduce_sum3A_1572 : vector<16xf32>, vector<16xi1> -> vector<16xf32>
      %reduce_sum3A_1574 = vector.extract %reduce_sum3A_1573[15] : f32 from vector<16xf32>
      %eq3A_1575 = arith.constant 15 : i32
      %eq3A_1576 = vector.broadcast %eq3A_1575 : i32 to vector<16xi32>
      %eq3A_1577 = arith.cmpi eq, %iota3A, %eq3A_1576 : vector<16xi32>
      %jit3A_1578 = arith.constant 0.000000e+00 : f32
      %broadcast_in_dim3A_1579 = vector.broadcast %reduce_sum3A_1574 : f32 to vector<16xf32>
      %broadcast_in_dim3A_1580 = vector.broadcast %jit3A_1578 : f32 to vector<16xf32>
      %select_n3A_1581 = arith.select %eq3A_1577, %broadcast_in_dim3A_1579, %broadcast_in_dim3A_1580 : vector<16xi1>, vector<16xf32>
      %add3A_1582 = arith.addf %add3A_1537, %select_n3A_1581 : vector<16xf32>
      %swap3A = arith.constant 0 : index
      %swap3A_1583 = tpu.vector_load %arg7[%swap3A] {strides = array<i32>} : memref<16xf32, #tpu.memory_space<vmem>>, vector<16xf32>,
      tpu.vector_store %arg7[%swap3A], %add3A_1582 {strides = array<i32>} : memref<16xf32, #tpu.memory_space<vmem>>, vector<16xf32>,
      %dma_start3A_1584 = tpu.memref_slice %arg4[%mul3A_4] : memref<128xf32, #tpu.memory_space<hbm>> -> memref<16xf32, #tpu.memory_space<hbm>>
      %dma_start3A_1585 = tpu.memref_slice %arg4[%mul3A_4] : memref<128xf32, #tpu.memory_space<hbm>> -> memref<16xf32, #tpu.memory_space<hbm>>
      tpu.enqueue_dma source(%arg7 : memref<16xf32, #tpu.memory_space<vmem>>) target(%dma_start3A_1585 : memref<16xf32, #tpu.memory_space<hbm>>) target_semaphore(%arg8 : memref<!tpu.dma_semaphore, #tpu.memory_space<semaphore_mem>>)
      %dma_wait3A_1586 = tpu.memref_slice %arg4[%mul3A_4] : memref<128xf32, #tpu.memory_space<hbm>> -> memref<16xf32, #tpu.memory_space<hbm>>
      %dma_wait3A_1587 = tpu.memref_slice %arg4[%mul3A_4] : memref<128xf32, #tpu.memory_space<hbm>> -> memref<16xf32, #tpu.memory_space<hbm>>
      tpu.wait_dma2 semaphore(%arg8 : memref<!tpu.dma_semaphore, #tpu.memory_space<semaphore_mem>>) src(%arg7 : memref<16xf32, #tpu.memory_space<vmem>>) dst(%dma_wait3A_1587 : memref<16xf32, #tpu.memory_space<hbm>>)
    } else {
    }
    return
  }
}

module attributes {stable_mosaic.version = 14 : i64} {
  func.func @_acc_body(%arg0: i32, %arg1: memref<16x1xi32, #tpu.memory_space<vmem>>, %arg2: memref<16x1xf32, #tpu.memory_space<vmem>>, %arg3: memref<16x32768xf32, #tpu.memory_space<vmem>>, %arg4: memref<1x1xf32, #tpu.memory_space<vmem>>) attributes {dimension_semantics = [#tpu.dimension_semantics<arbitrary>], iteration_bounds = array<i64: 8>, scalar_prefetch = 0 : i64, scratch_operands = 0 : i64, tpu.core_type = #tpu.core_type<tc>, window_params = [{transform_indices = @transform_0, window_bounds = array<i64: 16, 1>}, {transform_indices = @transform_1, window_bounds = array<i64: 16, 1>}, {transform_indices = @transform_2, window_bounds = array<i64: 16, 32768>}, {pipeline_mode = #tpu.pipeline_mode<synchronous>, transform_indices = @transform_3, window_bounds = array<i64: 1, 1>}]} {
    %get3A = arith.constant 0 : index
    %get3A_0 = arith.constant 0 : index
    %get3A_1 = vector.load %arg3[%get3A, %get3A_0] : memref<16x32768xf32, #tpu.memory_space<vmem>>, vector<16x32768xf32>
    %get3A_2 = arith.constant 0 : index
    %get3A_3 = arith.constant 0 : index
    %get3A_4 = vector.load %arg1[%get3A_2, %get3A_3] : memref<16x1xi32, #tpu.memory_space<vmem>>, vector<16x1xi32>
    %get3A_5 = arith.constant 0 : index
    %get3A_6 = arith.constant 0 : index
    %get3A_7 = vector.load %arg2[%get3A_5, %get3A_6] : memref<16x1xf32, #tpu.memory_space<vmem>>, vector<16x1xf32>
    %gt3A = vector.broadcast %get3A_7 : vector<16x1xf32> to vector<16x32768xf32>
    %gt3A_8 = arith.cmpf ogt, %get3A_1, %gt3A : vector<16x32768xf32>
    %convert_element_type3A = arith.extui %gt3A_8 : vector<16x32768xi1> to vector<16x32768xi32>
    %reduce_sum3A = arith.constant dense<0> : vector<16xi32>
    %reduce_sum3A_9 = vector.multi_reduction <add>, %convert_element_type3A, %reduce_sum3A [1] : vector<16x32768xi32> to vector<16xi32>
    %eq3A = vector.broadcast %get3A_7 : vector<16x1xf32> to vector<16x32768xf32>
    %eq3A_10 = arith.cmpf oeq, %get3A_1, %eq3A : vector<16x32768xf32>
    %convert_element_type3A_11 = arith.extui %eq3A_10 : vector<16x32768xi1> to vector<16x32768xi32>
    %reduce_sum3A_12 = arith.constant dense<0> : vector<16xi32>
    %reduce_sum3A_13 = vector.multi_reduction <add>, %convert_element_type3A_11, %reduce_sum3A_12 [1] : vector<16x32768xi32> to vector<16xi32>
    %eq3A_14 = arith.constant 0 : i32
    %eq3A_15 = arith.cmpi eq, %arg0, %eq3A_14 : i32
    %convert_element_type3A_16 = arith.extui %eq3A_15 : i1 to i32
    %cond3A = arith.constant 0 : i32
    %cond3A_17 = arith.cmpi ne, %convert_element_type3A_16, %cond3A : i32
    scf.if %cond3A_17 {
      %broadcast_in_dim3A = arith.constant 0.000000e+00 : f32
      %broadcast_in_dim3A_42 = vector.broadcast %broadcast_in_dim3A : f32 to vector<1x1xf32>
      %swap3A = arith.constant 0 : index
      %swap3A_43 = arith.constant 0 : index
      %swap3A_44 = vector.load %arg4[%swap3A, %swap3A_43] : memref<1x1xf32, #tpu.memory_space<vmem>>, vector<1x1xf32>
      tpu.vector_store %arg4[%swap3A, %swap3A_43], %broadcast_in_dim3A_42 {strides = array<i32>} : memref<1x1xf32, #tpu.memory_space<vmem>>, vector<1x1xf32>,
    } else {
    }
    %lt3A = arith.constant 5 : i32
    %lt3A_18 = vector.broadcast %lt3A : i32 to vector<16xi32>
    %lt3A_19 = arith.cmpi slt, %reduce_sum3A_9, %lt3A_18 : vector<16xi32>
    %add3A = arith.addi %reduce_sum3A_9, %reduce_sum3A_13 : vector<16xi32>
    %sub3A = arith.constant 1 : i32
    %sub3A_20 = vector.broadcast %sub3A : i32 to vector<16xi32>
    %sub3A_21 = arith.subi %add3A, %sub3A_20 : vector<16xi32>
    %ge3A = arith.constant 5 : i32
    %ge3A_22 = vector.broadcast %ge3A : i32 to vector<16xi32>
    %ge3A_23 = arith.cmpi sge, %sub3A_21, %ge3A_22 : vector<16xi32>
    %and3A = arith.andi %lt3A_19, %ge3A_23 : vector<16xi1>
    %reduce_or3A = arith.constant 1.000000e+00 : f32
    %reduce_or3A_24 = arith.constant 0.000000e+00 : f32
    %reduce_or3A_25 = vector.broadcast %reduce_or3A : f32 to vector<16xf32>
    %reduce_or3A_26 = vector.broadcast %reduce_or3A_24 : f32 to vector<16xf32>
    %reduce_or3A_27 = arith.select %and3A, %reduce_or3A_25, %reduce_or3A_26 : vector<16xi1>, vector<16xf32>
    %reduce_or3A_28 = vector.shape_cast %reduce_or3A_27 : vector<16xf32> to vector<1x16xf32>
    %reduce_or3A_29 = arith.constant dense<0xFF800000> : vector<1xf32>
    %reduce_or3A_30 = vector.multi_reduction <maximumf>, %reduce_or3A_28, %reduce_or3A_29 [1] : vector<1x16xf32> to vector<1xf32>
    %reduce_or3A_31 = vector.shape_cast %reduce_or3A_30 : vector<1xf32> to vector<1x1xf32>
    %reduce_or3A_32 = vector.extract %reduce_or3A_31[0, 0] : f32 from vector<1x1xf32>
    %reduce_or3A_33 = arith.constant 0.000000e+00 : f32
    %reduce_or3A_34 = arith.cmpf ogt, %reduce_or3A_32, %reduce_or3A_33 : f32
    %not3A = arith.constant true
    %not3A_35 = arith.xori %reduce_or3A_34, %not3A : i1
    %convert_element_type3A_36 = arith.extui %not3A_35 : i1 to i32
    %cond3A_37 = arith.constant 0 : i32
    %cond3A_38 = arith.cmpi ne, %convert_element_type3A_36, %cond3A_37 : i32
    scf.if %cond3A_38 {
      %lt3A_42 = arith.constant 5 : i32
      %lt3A_43 = vector.broadcast %lt3A_42 : i32 to vector<16xi32>
      %lt3A_44 = arith.cmpi slt, %reduce_sum3A_9, %lt3A_43 : vector<16xi32>
      %convert_element_type3A_45 = arith.extui %lt3A_44 : vector<16xi1> to vector<16xi32>
      %convert_element_type3A_46 = arith.sitofp %convert_element_type3A_45 : vector<16xi32> to vector<16xf32>
      %reduce_sum3A_47 = vector.shape_cast %convert_element_type3A_46 : vector<16xf32> to vector<1x16xf32>
      %reduce_sum3A_48 = arith.constant dense<0.000000e+00> : vector<1xf32>
      %reduce_sum3A_49 = vector.multi_reduction <add>, %reduce_sum3A_47, %reduce_sum3A_48 [1] : vector<1x16xf32> to vector<1xf32>
      %reduce_sum3A_50 = vector.shape_cast %reduce_sum3A_49 : vector<1xf32> to vector<1x1xf32>
      %reduce_sum3A_51 = vector.extract %reduce_sum3A_50[0, 0] : f32 from vector<1x1xf32>
      %reshape3A = vector.broadcast %reduce_sum3A_51 : f32 to vector<1x1xf32>
      %get3A_52 = arith.constant 0 : index
      %get3A_53 = arith.constant 0 : index
      %get3A_54 = vector.load %arg4[%get3A_52, %get3A_53] : memref<1x1xf32, #tpu.memory_space<vmem>>, vector<1x1xf32>
      %add3A_55 = arith.addf %get3A_54, %reshape3A : vector<1x1xf32>
      %swap3A = arith.constant 0 : index
      %swap3A_56 = arith.constant 0 : index
      %swap3A_57 = vector.load %arg4[%swap3A, %swap3A_56] : memref<1x1xf32, #tpu.memory_space<vmem>>, vector<1x1xf32>
      tpu.vector_store %arg4[%swap3A, %swap3A_56], %add3A_55 {strides = array<i32>} : memref<1x1xf32, #tpu.memory_space<vmem>>, vector<1x1xf32>,
    } else {
    }
    %convert_element_type3A_39 = arith.extui %reduce_or3A_34 : i1 to i32
    %cond3A_40 = arith.constant 0 : i32
    %cond3A_41 = arith.cmpi ne, %convert_element_type3A_39, %cond3A_40 : i32
    scf.if %cond3A_41 {
      %iota3A = tpu.iota {dimensions = array<i32: 1>} : vector<16x32768xi32>
      %eq3A_42 = vector.broadcast %get3A_7 : vector<16x1xf32> to vector<16x32768xf32>
      %eq3A_43 = arith.cmpf oeq, %get3A_1, %eq3A_42 : vector<16x32768xf32>
      %lt3A_44 = vector.broadcast %get3A_4 : vector<16x1xi32> to vector<16x32768xi32>
      %lt3A_45 = arith.cmpi slt, %iota3A, %lt3A_44 : vector<16x32768xi32>
      %and3A_46 = arith.andi %eq3A_43, %lt3A_45 : vector<16x32768xi1>
      %convert_element_type3A_47 = arith.extui %and3A_46 : vector<16x32768xi1> to vector<16x32768xi32>
      %reduce_sum3A_48 = arith.constant dense<0> : vector<16xi32>
      %reduce_sum3A_49 = vector.multi_reduction <add>, %convert_element_type3A_47, %reduce_sum3A_48 [1] : vector<16x32768xi32> to vector<16xi32>
      %add3A_50 = arith.addi %reduce_sum3A_9, %reduce_sum3A_49 : vector<16xi32>
      %lt3A_51 = arith.constant 5 : i32
      %lt3A_52 = vector.broadcast %lt3A_51 : i32 to vector<16xi32>
      %lt3A_53 = arith.cmpi slt, %add3A_50, %lt3A_52 : vector<16xi32>
      %convert_element_type3A_54 = arith.extui %lt3A_53 : vector<16xi1> to vector<16xi32>
      %convert_element_type3A_55 = arith.sitofp %convert_element_type3A_54 : vector<16xi32> to vector<16xf32>
      %reduce_sum3A_56 = vector.shape_cast %convert_element_type3A_55 : vector<16xf32> to vector<1x16xf32>
      %reduce_sum3A_57 = arith.constant dense<0.000000e+00> : vector<1xf32>
      %reduce_sum3A_58 = vector.multi_reduction <add>, %reduce_sum3A_56, %reduce_sum3A_57 [1] : vector<1x16xf32> to vector<1xf32>
      %reduce_sum3A_59 = vector.shape_cast %reduce_sum3A_58 : vector<1xf32> to vector<1x1xf32>
      %reduce_sum3A_60 = vector.extract %reduce_sum3A_59[0, 0] : f32 from vector<1x1xf32>
      %reshape3A = vector.broadcast %reduce_sum3A_60 : f32 to vector<1x1xf32>
      %get3A_61 = arith.constant 0 : index
      %get3A_62 = arith.constant 0 : index
      %get3A_63 = vector.load %arg4[%get3A_61, %get3A_62] : memref<1x1xf32, #tpu.memory_space<vmem>>, vector<1x1xf32>
      %add3A_64 = arith.addf %get3A_63, %reshape3A : vector<1x1xf32>
      %swap3A = arith.constant 0 : index
      %swap3A_65 = arith.constant 0 : index
      %swap3A_66 = vector.load %arg4[%swap3A, %swap3A_65] : memref<1x1xf32, #tpu.memory_space<vmem>>, vector<1x1xf32>
      tpu.vector_store %arg4[%swap3A, %swap3A_65], %add3A_64 {strides = array<i32>} : memref<1x1xf32, #tpu.memory_space<vmem>>, vector<1x1xf32>,
    } else {
    }
    return
  }
  func.func @transform_0(%arg0: i32) -> (i32, i32) {
    %c0_i32 = arith.constant 0 : i32
    %c0_i32_0 = arith.constant 0 : i32
    return %arg0, %c0_i32 : i32, i32
  }
  func.func @transform_1(%arg0: i32) -> (i32, i32) {
    %c0_i32 = arith.constant 0 : i32
    %c0_i32_0 = arith.constant 0 : i32
    return %arg0, %c0_i32 : i32, i32
  }
  func.func @transform_2(%arg0: i32) -> (i32, i32) {
    %c0_i32 = arith.constant 0 : i32
    %c0_i32_0 = arith.constant 0 : i32
    return %arg0, %c0_i32 : i32, i32
  }
  func.func @transform_3(%arg0: i32) -> (i32, i32) {
    %c0_i32 = arith.constant 0 : i32
    %c0_i32_0 = arith.constant 0 : i32
    %c0_i32_1 = arith.constant 0 : i32
    return %c0_i32, %c0_i32_0 : i32, i32
  }
}

</mosaic_0001>

<sc_bundles>
// kernel: kernel.4.cloned.1.call-start
scs
__scs_entry_jumppad:
0x0: {  	(pc) =	sbr.rel $0x88, $3  }
0x1: {  	(tag) =	ssettag $0x0;
	lr =	simm.s32 $0x1  }
0x2: {  	[smem:$0x3F9F] =	sst lr;
	_ =	strace $0xD0000000  }
0x3: {  	_ = 	snop  }
0x4: {  	_ = 	snop  }
0x5: {  	_ = 	snop  }
0x6: {  	_ = 	snop  }
0x7: {  	_ = 	snop  }
__scs_overlays_trampoline_lowered:
0x8: {  	[smem:$0x3FAE] =	sst s0  }
0x9: {  	[smem:$0x3FAF] =	sst s1  }
0xa: {  	[smem:$0x3FB0] =	sst s2  }
0xb: {  	[smem:$0x3FB1] =	sst s3  }
0xc: {  	[smem:$0x3FB2] =	sst s4  }
0xd: {  	[smem:$0x3FB3] =	sst s5  }
0xe: {  	[smem:$0x3FB4] =	sst s6  }
0xf: {  	[smem:$0x3FB5] =	sst s7  }
0x10: {  	[smem:$0x3FB6] =	sst s8  }
0x11: {  	[smem:$0x3FB7] =	sst s9;
	s0 =	simm.s32 @!p0 $0x0  }
0x12: {  	s1 =	sld [smem:$0x3F9D];
	s0 =	simm.s32 @p0 $0x1  }
0x13: {  	[smem:$0x3FB8] =	sst s0;
	s0 =	simm.s32 @!p1 $0x0  }
0x14: {  	s2 =	sld [smem:$0x3F9C];
	s0 =	simm.s32 @p1 $0x1  }
0x15: {  	[smem:$0x3FB9] =	sst s0;
	s0 =	simm.s32 @!p2 $0x0  }
0x16: {  	s3 =	sld [smem:$0x3FDB];
	s0 =	simm.s32 @p2 $0x1  }
0x17: {  	s4 =	simm.s32 $0x1BF5;
	[smem:$0x3FBB] =	sst s0  }
0x18: {  	s0 =	sld [smem:$0x3F9E];
	_ =	swait.ge [sflag:s4], $0x0  }
0x19: {  	s7 =	sld [smem:$0x3F9F]  }
0x1a: {  	s8 =	sadd.s32 $0xFFFFE003, lr  }
0x1b: {  	s9 =	sadd.s32 $0xFFFFFEF7, lr;
	s5 =	simm.s32 $0xFFFFFFFF;
	p2 =	slt.u32 s8, $0xFFFFF086  }
0x1c: {  	p1 =	slt.u32 s9, $0xF7A;
	s5 =	simm.s32 @!p2 $0x0  }
0x1d: {  	s5 =	simm.s32 @p1 $0x1;
	p0 =	seq.s32 s7, s2  }
0x1e: {  	s7 =	smul.u32 @!p0 $0xF7A, s2;
	p2 =	seq.s32 @!p0 s5, $0x0  }
0x1f: {  	s9 =	smul.u32 $0xF7A, s1;
	s8 =	simm.s32 @!p0 $0x1BF5;
	p2 =	por !p2, p0  }
0x20: {  	[sflag:s8] =	ssyncset.s32 @!p0 $0xFFFFF086;
	s6 =	sadd.s32 @!p0 s3, s7;
	s7 =	simm.s32 @!p0 $0x108  }
0x21: {  	s3 =	sadd.s32 s3, s9;
	s6 =	sadd.s32 @!p0 $0x88, s6;
	s7 =	simm.s32 @p2 $0x1082  }
0x22: {  	[simem:s7], [sflag:s8] =	dma.local @!p0 [hbm:s6], $0xF7A  }
0x23: {  	s9 =	sor.u32 $0xD0000000, s2;
	s6 =	simm.s32 $0x108;
	_ =	swait.ge @!p0 [sflag:s8], $0x0  }
0x24: {  	s3 =	sadd.s32 $0x88, s3;
	s6 =	simm.s32 @!p1 $0x1082;
	[sflag:s4] =	ssyncset.s32 $0xFFFFF086  }
0x25: {  	[simem:s6], [sflag:s4] =	dma.local [hbm:s3], $0xF7A  }
0x26: {  	[smem:$0x3F9F] =	sst s1;
	(tag) =	ssettag s2;
	_ =	strace s9  }
0x27: {  	s1 =	sld [smem:$0x3FAF]  }
0x28: {  	s2 =	sld [smem:$0x3FB0]  }
0x29: {  	s4 =	sld [smem:$0x3FB2]  }
0x2a: {  	p0 =	seq.s32 s5, $0x0;
	s5 =	sld [smem:$0x3FB3]  }
0x2b: {  	s6 =	sld [smem:$0x3FB4]  }
0x2c: {  	s7 =	sld [smem:$0x3FB5]  }
0x2d: {  	s3 =	simm.s32 $0x108;
	s8 =	sld [smem:$0x3FB6]  }
0x2e: {  	s3 =	simm.s32 @!p0 $0x1082;
	s9 =	sld [smem:$0x3FB7]  }
0x2f: {  	lr =	sadd.s32 s0, s3;
	s0 =	sld [smem:$0x3FAE]  }
0x30: {  	s3 =	sld [smem:$0x3FB1]  }
0x31: {  	[smem:$0x3FBA] =	sst s10  }
0x32: {  	s10 =	sld [smem:$0x3FB8];
	_ =	sdelay $0x3  }
0x33: {  	p0 =	seq.s32 s10, $0x1;
	s10 =	sld [smem:$0x3FBA];
	_ =	sdelay $0x3  }
0x34: {  	[smem:$0x3FBA] =	sst s10  }
0x35: {  	s10 =	sld [smem:$0x3FB9];
	_ =	sdelay $0x3  }
0x36: {  	p1 =	seq.s32 s10, $0x1;
	s10 =	sld [smem:$0x3FBA];
	_ =	sdelay $0x3  }
0x37: {  	[smem:$0x3FBA] =	sst s10  }
0x38: {  	s10 =	sld [smem:$0x3FBB]  }
0x39: {  	_ = 	snop;
	(pc) =	sbr.ind lr, $3  }
0x3a: {  	_ = 	snop  }
0x3b: {  	_ = 	snop  }
0x3c: {  	p2 =	seq.s32 s10, $0x1;
	s10 =	sld [smem:$0x3FBA]  }
0x3d: {  	_ =	shalt  }
0x3e: {  	_ =	shalt  }
0x3f: {  	_ =	shalt  }
0x40: {  	_ =	shalt  }
0x41: {  	_ =	shalt  }
0x42: {  	_ =	shalt  }
0x43: {  	_ =	shalt  }
0x44: {  	_ =	shalt  }
0x45: {  	_ =	shalt  }
0x46: {  	_ =	shalt  }
0x47: {  	_ =	shalt  }
0x48: {  	_ =	shalt  }
0x49: {  	_ =	shalt  }
0x4a: {  	_ =	shalt  }
0x4b: {  	_ =	shalt  }
0x4c: {  	_ =	shalt  }
0x4d: {  	_ =	shalt  }
0x4e: {  	_ =	shalt  }
0x4f: {  	_ =	shalt  }
0x50: {  	_ =	shalt  }
0x51: {  	_ =	shalt  }
0x52: {  	_ =	shalt  }
0x53: {  	_ =	shalt  }
0x54: {  	_ =	shalt  }
0x55: {  	_ =	shalt  }
0x56: {  	_ =	shalt  }
0x57: {  	_ =	shalt  }
0x58: {  	_ =	shalt  }
0x59: {  	_ =	shalt  }
0x5a: {  	_ =	shalt  }
0x5b: {  	_ =	shalt  }
0x5c: {  	_ =	shalt  }
0x5d: {  	_ =	shalt  }
0x5e: {  	_ =	shalt  }
0x5f: {  	_ =	shalt  }
0x60: {  	_ =	shalt  }
0x61: {  	_ =	shalt  }
0x62: {  	_ =	shalt  }
0x63: {  	_ =	shalt  }
0x64: {  	_ =	shalt  }
0x65: {  	_ =	shalt  }
0x66: {  	_ =	shalt  }
0x67: {  	_ =	shalt  }
0x68: {  	_ =	shalt  }
0x69: {  	_ =	shalt  }
0x6a: {  	_ =	shalt  }
0x6b: {  	_ =	shalt  }
0x6c: {  	_ =	shalt  }
0x6d: {  	_ =	shalt  }
0x6e: {  	_ =	shalt  }
0x6f: {  	_ =	shalt  }
0x70: {  	_ =	shalt  }
0x71: {  	_ =	shalt  }
0x72: {  	_ =	shalt  }
0x73: {  	_ =	shalt  }
0x74: {  	_ =	shalt  }
0x75: {  	_ =	shalt  }
0x76: {  	_ =	shalt  }
0x77: {  	_ =	shalt  }
0x78: {  	_ =	shalt  }
0x79: {  	_ =	shalt  }
0x7a: {  	_ =	shalt  }
0x7b: {  	_ =	shalt  }
0x7c: {  	_ =	shalt  }
0x7d: {  	_ =	shalt  }
0x7e: {  	_ =	shalt  }
0x7f: {  	_ =	shalt  }
0x80: {  	_ =	shalt  }
0x81: {  	_ =	shalt  }
0x82: {  	_ =	shalt  }
0x83: {  	_ =	shalt  }
0x84: {  	_ =	shalt  }
0x85: {  	_ =	shalt  }
0x86: {  	_ =	shalt  }
0x87: {  	_ =	shalt  }
.Lfunc_end0:
.L_simem_size_0:
called_computation_lowered:
.L_overlay_start_0:
0x88: {  	s2 =	sld [smem:$0x3FD9]  }
0x89: {  	s3 =	sld [smem:$0x3FFE];
	_ =	sdelay $0x1  }
0x8a: {  	s1 =	srdreg.scid  }
0x8b: {  	s0 =	sand.u32 $0x1, s1  }
0x8c: {  	s18 =	sshll.u32 s0, $0xA;
	s2 =	sadd.s32 s3, s2  }
0x8d: {  	s2 =	sadd.s32 s2, s18  }
0x8e: {  	[smem:$0x3FC6] =	sst s2  }
0x8f: {  	_ = 	snop  }
0x90: {  	s2 =	sld [smem:$0x3FC9]  }
0x91: {  	s19 =	sld [smem:$0x3FC8]  }
0x92: {  	s4 =	sld [smem:$0x3FD0];
	(tm) =	ssettm $0x1  }
0x93: {  	s5 =	sld [smem:$0x3FFB];
	_ =	sdelay $0x3  }
0x94: {  	_ =	strace s5  }
0x95: {  	s5 =	sld [smem:$0x3FFC];
	_ =	sdelay $0x3  }
0x96: {  	_ =	strace s5  }
0x97: {  	s5 =	sld [smem:$0x3FFD];
	_ =	sdelay $0x3  }
0x98: {  	_ =	strace s5  }
0x99: {  	_ =	strace $0x8FFFFFFF  }
0x9a: {  	s20 =	sld [smem:$0x3FDB];
	_ =	sdelay $0x1  }
0x9b: {  	s6 =	simm.s32 $_scs_section_size  }
0x9c: {  	s7 =	simm.s32 $_size__tile_overlayer_lowered;
	s8 =	simm.s32 $_tile_overlayer_lowered  }
0x9d: {  	s23 =	simm.s32 $0x1BFF;
	s22 =	sshll.u32 s8, $0x1;
	s5 =	sadd.s32 s6, s20  }
0x9e: {  	s9 =	simm.s32 $0x0;
	s21 =	sshll.u32 s7, $0x1;
	s7 =	sadd.s32 s22, s5  }
0x9f: {  	[timem:s9], [sflag:s23] =	dma.local [hbm:s7], s21  }
0xa0: {  	_ =	swait.ge [sflag:s23], s21  }
0xa1: {  	s6 =	ssub.s32 $0x0, s21;
	[sflag:s23] =	ssyncset.done $0x0  }
0xa2: {  	[sflag:s23] =	ssyncadd.s32 s6;
	_ =	sdelay $0x1  }
0xa3: {  	s24 =	simm.s32 $0x1B8B  }
0xa4: {  	_ =	swait.ge [sflag:s24], $0x1  }
0xa5: {  	[sflag:s24] =	ssyncset.done $0x0  }
0xa6: {  	s25 =	simm.s32 $0x1B8E;
	[sflag:s24] =	ssyncadd.s32 $0xFFFFFFFF  }
0xa7: {  	s26 =	simm.s32 $execute0_lowered;
	[smem:$0x3FD2] =	sst s25  }
0xa8: {  	s6 =	sshll.u32 s26, $0x1;
	_ =	strace $0x80000046;
	[dreg:$0x1] =	wrdreg $0xFFFFFFFF  }
0xa9: {  	s28 =	simm.s32 $_size_execute0_lowered;
	s5 =	sadd.s32 s5, s6;
	[dreg:$0x0] =	wrdreg $0x0  }
0xaa: {  	s6 =	sshll.u32 s28, $0x1;
	[dreg:$0x2] =	wrdreg s5  }
0xab: {  	[dreg:$0x3] =	wrdreg s6  }
0xac: {  	[dreg:$0x4] =	wrdreg $0xC0  }
0xad: {  	_ =	task [dreg:s9], $0x5FFFF  }
0xae: {  	[dreg:$0x1] =	wrdreg $0xFFFFFFFF  }
0xaf: {  	[dreg:$0x0] =	wrdreg $0x60  }
0xb0: {  	[dreg:$0x2] =	wrdreg s2  }
0xb1: {  	[dreg:$0x3] =	wrdreg s19  }
0xb2: {  	[dreg:$0x4] =	wrdreg s4  }
0xb3: {  	[dreg:$0x5] =	wrdreg $0x9  }
0xb4: {  	_ =	task.clear_ibuf [dreg:s9], $0x6FFFF;
	_ =	strace $0x90000046  }
0xb5: {  	s29 =	simm.s32 $0x9;
	_ =	strace $0x80000048  }
0xb6: {  	_ =	swait.ge [sflag:s29], $0x1  }
0xb7: {  	[sflag:s29] =	ssyncadd.s32 $0xFFFFFFFF  }
0xb8: {  	_ =	strace $0x90000048  }
0xb9: {  	_ =	sfence  }
0xba: {  	s30 =	sld [smem:$0x0];
	_ =	sdelay $0x2  }
0xbb: {  	s31 =	sshll.u32 s1, $0xD;
	s1 =	sshrl.u32 s1, $0x2  }
0xbc: {  	s3 =	sand.u32 $0x4000, s31;
	s1 =	sadd.s32 s1, s30  }
0xbd: {  	s0 =	sor.u32 s3, s0;
	s1 =	sshll.u32 s1, $0x11  }
0xbe: {  	s0 =	sor.u32 s1, s0  }
0xbf: {  	s0 =	sadd.s32 $0x8F2B, s0  }
0xc0: {  	[sflag:s0] =	ssyncadd.remote.s32 $0x1  }
0xc1: {  	_ =	sfence.sel $0xFFFF  }
0xc2: {  	[dreg:$0x0] =	wrdreg $0xFFFFFFFF;
	(pc) =	sbr.abs _section_cstart, $3  }
0xc3: {  	[dreg:$0x1] =	wrdreg $0xFFFFFFFF  }
0xc4: {  	_ =	task.clear_ibuf [dreg:s9], $0x2FFFF;
	_ =	strace $0x9FFFFFFF  }
0xc5: {  	(tm) =	ssettm $0x7FFFFFFF  }
tec
execute0_lowered:
.L_overlay_start_1:
0x0: {  	(tag) =	ssettag $0x1  }
0x1: {  	s0 =	stileid.u32  }
0x2: {  	p0 =	sgt.u32 s0, $0x3  }
.Ltmp0:
0x3: {  	_ = 	snop;
	(pc) =	sbr.rel @p0 .LBB2_3-.Ltmp0, $4  }
0x4: {  	_ = 	snop  }
0x5: {  	s4 =	rddreg [dreg:$0x1];
	s3 =	simm.s32 $0x0  }
0x6: {  	[smem:$0x7FF] =	sst s3  }
0x7: {  	s5 =	rddreg [dreg:$0x2];
	_ =	strace $0x80000047  }
0x8: {  	s14 =	simm.s32 $0x80;
	s20 =	rddreg [dreg:$0x0]  }
0x9: {  	s15 =	simm.s32 $0x90;
	[dreg:$0x6] =	wrdreg s14  }
0xa: {  	s16 =	simm.s32 $0xA0;
	[dreg:$0x7] =	wrdreg s15  }
0xb: {  	s17 =	simm.s32 $0xB0;
	[dreg:$0x8] =	wrdreg s16  }
0xc: {  	s18 =	simm.s32 $0xC0;
	[dreg:$0x9] =	wrdreg s17  }
0xd: {  	s19 =	simm.s32 $0xD0;
	[dreg:$0xa] =	wrdreg s18  }
0xe: {  	s21 =	simm.s32 $0xE0;
	[dreg:$0xb] =	wrdreg s19  }
0xf: {  	s8 =	simm.s32 $0xF0;
	[dreg:$0xc] =	wrdreg s21  }
0x10: {  	s9 =	simm.s32 $0x100;
	[dreg:$0xd] =	wrdreg s8  }
0x11: {  	s10 =	simm.s32 $0x110;
	[dreg:$0xe] =	wrdreg s9  }
0x12: {  	s11 =	simm.s32 $0x120;
	[dreg:$0xf] =	wrdreg s10  }
0x13: {  	s28 =	simm.s32 $0x150;
	[dreg:$0x10] =	wrdreg s11  }
0x14: {  	s29 =	simm.s32 $0x160;
	[dreg:$0x13] =	wrdreg s28  }
0x15: {  	s30 =	simm.s32 $0x170;
	[dreg:$0x14] =	wrdreg s29  }
0x16: {  	s31 =	simm.s32 $0x180;
	[dreg:$0x15] =	wrdreg s30  }
0x17: {  	s1 =	sadd.s32 $0x10, s20;
	[dreg:$0x16] =	wrdreg s31  }
0x18: {  	s22 =	sadd.s32 $0x20, s20;
	[dreg:$0x17] =	wrdreg s1  }
0x19: {  	s23 =	sadd.s32 $0x30, s20;
	[dreg:$0x18] =	wrdreg s22  }
0x1a: {  	s6 =	srdreg.scid;
	s24 =	sadd.s32 $0x40, s20;
	[dreg:$0x19] =	wrdreg s23  }
0x1b: {  	s0 =	stileid.u32;
	s25 =	sadd.s32 $0x50, s20;
	[dreg:$0x1a] =	wrdreg s24  }
0x1c: {  	s13 =	sand.u32 $0x1, s6;
	s26 =	sadd.s32 $0x60, s20;
	[dreg:$0x1b] =	wrdreg s25  }
0x1d: {  	s12 =	sshll.u32 s0, $0x1;
	s0 =	sadd.s32 $0x70, s20;
	[dreg:$0x1c] =	wrdreg s26  }
0x1e: {  	s14 =	simm.s32 $0x140;
	s6 =	sor.u32 s13, s12;
	[dreg:$0x1d] =	wrdreg s0  }
0x1f: {  	vm0 =	vmmov $0x1;
	vm15 =	vmmov $0x7fff;
	v0 =	vlaneseq.u32;
	s12 =	simm.s32 $0x130;
	[dreg:$0x12] =	wrdreg s14;
	s13 =	ssub.s32 $0x2, s13  }
0x20: {  	vm3 =	vcmask $0xF0C;
	vm4 =	vcmask $0x1310;
	vm5 =	vcmask $0x1714;
	s14 =	simm.s32 $0x1;
	s7 =	sshll.u32 s6, $0x1;
	[dreg:$0x11] =	wrdreg s12  }
0x21: {  	vm6 =	vcmask $0x1B18;
	vm7 =	vcmask $0x1F1C;
	vm8 =	vcmask $0x2320;
	s15 =	sshrl.u32 s13, $0x1;
	s5 =	sadd.s32 s5, s7;
	s4 =	sadd.s32 s4, s7  }
0x22: {  	vm9 =	vcmask $0x2724;
	vm10 =	vcmask $0x2B28;
	vm11 =	vcmask $0x2F2C;
	s13 =	ssub.s32 s13, s15;
	[dreg:$0x5] =	wrdreg s4;
	s4 =	sshll.u32 s6, $0x13  }
0x23: {  	vm12 =	vcmask $0x3330;
	vm13 =	vcmask $0x3734;
	vm14 =	vcmask $0x3B38;
	[dreg:$0x4] =	wrdreg s5;
	s0 =	smax.u32 s13, $0x1;
	s12 =	sor.u32 $0x40000, s4  }
.LBB2_2:
0x24: {  	[dreg:$0x1e] =	wrdreg s0  }
0x25: {  	s15 =	rddreg [dreg:$0x5]  }
0x26: {  	[tilespmem:s3], [sflag:$0x1] =	stream.linear.gather [hbm4b:s15+s3], $0x10, $0x38;
	[tilespmem:$0x200] =	vst v63  }
0x27: {  	_ =	swait.ge [sflag:s14], $0x10  }
0x28: {  	[sflag:s14] =	ssyncset.done $0x0  }
0x29: {  	[sflag:s14] =	ssyncadd.s32 $0xFFFFFFF0  }
0x2a: {  	v1 =	vld [tilespmem:$0x0];
	_ =	sdelay $0x4  }
0x2b: {  	vm1 =	vcmask $0x308;
	v2 =	vnsel vm0, $0x0, v1  }
0x2c: {  	(xrf0) =	vadd.scan.msk.s32 $0xffff, v2;
	v2 =	vsel vm1, $0x0, v1;
	vm1 =	vcmask $0x70C  }
0x2d: {  	(xrf0) =	vadd.scan.msk.s32 $0xffff, v2;
	v2 =	vsel vm1, $0x0, v1;
	vm1 =	vcmask $0xB10  }
0x2e: {  	(xrf0) =	vadd.scan.msk.s32 $0xffff, v2;
	v2 =	vsel vm1, $0x0, v1;
	vm1 =	vcmask $0xF14  }
0x2f: {  	(xrf0) =	vadd.scan.msk.s32 $0xffff, v2;
	v2 =	vsel vm1, $0x0, v1;
	vm1 =	vcmask $0x1318  }
0x30: {  	(xrf0) =	vadd.scan.msk.s32 $0xffff, v2;
	v2 =	vsel vm1, $0x0, v1;
	vm1 =	vcmask $0x171C  }
0x31: {  	(xrf0) =	vadd.scan.msk.s32 $0xffff, v2;
	v2 =	vsel vm1, $0x0, v1;
	vm1 =	vcmask $0x1B20  }
0x32: {  	v3, _, _ =	vpop (xrf0);
	(xrf0) =	vadd.scan.msk.s32 $0xffff, v2;
	v2 =	vsel vm1, $0x0, v1  }
0x33: {  	(v2sf) =	vpush v3, $0xF;
	v3, _, _ =	vpop (xrf0)  }
0x34: {  	(v2sf) =	vpush v3, $0xF  }
0x35: {  	(xrf0) =	vadd.scan.msk.s32 $0xffff, v2;
	v2, _, _ =	vpop (xrf0)  }
0x36: {  	v3, _, _ =	vpop (xrf0);
	(v2sf) =	vpush v2, $0xF  }
0x37: {  	(v2sf) =	vpush v3, $0xF  }
0x38: {  	v2, _, _ =	vpop (xrf0)  }
0x39: {  	(v2sf) =	vpush v2, $0xF  }
0x3a: {  	v3, _, _ =	vpop (xrf0)  }
0x3b: {  	(v2sf) =	vpush v3, $0xF  }
0x3c: {  	v2, _, _ =	vpop (xrf0)  }
0x3d: {  	(v2sf) =	vpush v2, $0xF  }
0x3e: {  	v2, _, _ =	vpop (xrf0)  }
0x3f: {  	(v2sf) =	vpush v2, $0xF;
	_ =	sdelay $0x2  }
0x40: {  	s2 =	simm.s32 $0x1;
	s10 =	rddreg [dreg:$0x6];
	vm1 =	vcmask $0x1F24;
	s22 =	spop (v2sf)  }
0x41: {  	v2 =	vsel vm1, $0x0, v1;
	s21 =	spop (v2sf);
	s31 =	sshra.s32 s22, $0x1F;
	p2 =	slt.s32 s22, $0x1  }
0x42: {  	(xrf0) =	vadd.scan.msk.s32 $0xffff, v2;
	s23 =	sshrl.u32 s31, $0x1C;
	s25 =	sshra.s32 s21, $0x1F;
	p4 =	slt.s32 s21, $0x1  }
0x43: {  	s20 =	spop (v2sf);
	s23 =	sadd.s32 s23, s22;
	s25 =	sshrl.u32 s25, $0x1C  }
0x44: {  	s19 =	spop (v2sf);
	s24 =	sshra.s32 s20, $0x1F;
	s28 =	sshra.s32 s23, $0x4  }
0x45: {  	s23 =	sand.u32 $0xFFFFFFF0, s23;
	s25 =	sadd.s32 s25, s21;
	p0 =	slt.s32 s20, $0x1  }
0x46: {  	s18 =	spop (v2sf);
	s24 =	sshrl.u32 s24, $0x1C;
	s29 =	sshra.s32 s19, $0x1F  }
0x47: {  	s1 =	sshra.s32 s25, $0x4;
	p5 =	slt.s32 s19, $0x1;
	s5 =	sand.u32 $0xFFFFFFF0, s25  }
0x48: {  	v2, _, _ =	vpop (xrf0);
	s25 =	simm.s32 $0x1;
	p3 =	sne.s32 s22, s23;
	s16 =	spop (v2sf)  }
0x49: {  	(v2sf) =	vpush v2, $0xF;
	s24 =	sadd.s32 s24, s20;
	s0 =	sshrl.u32 s29, $0x1C;
	s7 =	sshra.s32 s18, $0x1F  }
0x4a: {  	s17 =	spop (v2sf);
	s26 =	sand.u32 $0xFFFFFFF0, s24;
	s30 =	sadd.s32 s0, s19  }
0x4b: {  	s24 =	sshra.s32 s24, $0x4;
	s0 =	simm.s32 $0x1;
	s8 =	sshrl.u32 s7, $0x1C  }
0x4c: {  	s13 =	sshra.s32 s16, $0x1F;
	s15 =	spop (v2sf);
	p1 =	sne.s32 s20, s26  }
0x4d: {  	s26 =	simm.s32 $0x1;
	s31 =	sand.u32 $0xFFFFFFF0, s30;
	s6 =	sshra.s32 s30, $0x4  }
0x4e: {  	s30 =	sadd.s32 s8, s18;
	s7 =	sshrl.u32 s13, $0x1C;
	s13 =	rddreg [dreg:$0x8]  }
0x4f: {  	p0 =	por !p0, !p1;
	p6 =	sne.s32 s19, s31;
	s9 =	sand.u32 $0xFFFFFFF0, s30  }
0x50: {  	s11 =	sshra.s32 s30, $0x4;
	s30 =	simm.s32 $0x1;
	p0 =	por !p0, !p0  }
0x51: {  	p1 =	slt.s32 s15, $0x1;
	s26 =	simm.s32 @!p0 $0x0;
	p0 =	por !p5, !p6  }
0x52: {  	p5 =	sne.s32 s21, s5;
	p6 =	slt.s32 s18, $0x1;
	p0 =	por !p0, !p0  }
0x53: {  	s5 =	rddreg [dreg:$0x0];
	s24 =	ssub.s32 s24, s26;
	s25 =	simm.s32 @!p0 $0x0  }
0x54: {  	s26 =	sshll.u32 s24, $0x4;
	p0 =	por !p2, !p3;
	p2 =	sne.s32 s18, s9  }
0x55: {  	p3 =	slt.s32 s16, $0x1;
	s9 =	sshll.u32 s24, $0x7;
	p0 =	por !p0, !p0  }
0x56: {  	s25 =	ssub.s32 s6, s25;
	s6 =	rddreg [dreg:$0x17];
	s26 =	sand.u32 $0x70, s26  }
0x57: {  	vm1 =	vcmask $0x2328;
	s0 =	simm.s32 @!p0 $0x0;
	p0 =	por !p4, !p5;
	p5 =	slt.s32 s17, $0x1  }
0x58: {  	v2 =	vsel vm1, $0x0, v1;
	s23 =	spop (v2sf);
	s0 =	ssub.s32 s28, s0;
	p0 =	por !p0, !p0  }
0x59: {  	(xrf0) =	vadd.scan.msk.s32 $0xffff, v2;
	s28 =	sshll.u32 s0, $0x7;
	s0 =	sshll.u32 s0, $0x4;
	s2 =	simm.s32 @!p0 $0x0  }
0x5a: {  	p0 =	por !p6, !p2;
	s28 =	sand.u32 $0xFFFFFC00, s28;
	s0 =	sand.u32 $0x70, s0  }
0x5b: {  	s2 =	ssub.s32 s1, s2;
	p0 =	por !p0, !p0;
	s1 =	rddreg [dreg:$0x7]  }
0x5c: {  	s28 =	sadd.s32 s4, s28;
	s29 =	sshll.u32 s2, $0x7;
	s2 =	sshll.u32 s2, $0x4  }
0x5d: {  	s30 =	simm.s32 @!p0 $0x0;
	s0 =	sor.u32 s0, s28;
	s29 =	sand.u32 $0xFFFFFC00, s29  }
0x5e: {  	s2 =	sand.u32 $0x70, s2;
	s28 =	ssub.s32 s11, s30;
	s30 =	sadd.s32 s7, s16  }
0x5f: {  	v2, _, _ =	vpop (xrf0);
	s11 =	sshra.s32 s17, $0x1F;
	s7 =	rddreg [dreg:$0x18];
	s0 =	sshrl.u32 s0, $0x3  }
0x60: {  	(v2sf) =	vpush v2, $0xF;
	s29 =	sadd.s32 s4, s29;
	s31 =	sshll.u32 s28, $0x4;
	s8 =	sand.u32 $0xFFFFFFF0, s30  }
0x61: {  	s28 =	sshll.u32 s28, $0x7;
	s0 =	sadd.s32 s5, s0;
	s2 =	sor.u32 s2, s29  }
0x62: {  	p4 =	sne.s32 s16, s8;
	s29 =	sshrl.u32 s11, $0x1C;
	s8 =	sshra.s32 s30, $0x4  }
0x63: {  	s11 =	rddreg [dreg:$0x9];
	s30 =	sshra.s32 s15, $0x1F;
	s28 =	sand.u32 $0xFFFFFC00, s28  }
0x64: {  	[tilespmem:s10], [sflag:$0x1] =	stream.linear.gather [hbm4b:s0+s3], $0x10, $0x38;
	[tilespmem:$0x200] =	vst v63  }
0x65: {  	s0 =	sshll.u32 s25, $0x4;
	s2 =	sshrl.u32 s2, $0x3;
	s10 =	sand.u32 $0xFFFFFC00, s9  }
0x66: {  	vm1 =	vcmask $0x272C;
	p0 =	por !p3, !p4;
	s29 =	sadd.s32 s29, s17;
	s25 =	sshll.u32 s25, $0x7  }
0x67: {  	v2 =	vsel vm1, $0x0, v1;
	s28 =	sadd.s32 s4, s28;
	p3 =	slt.s32 s23, $0x1;
	s2 =	sadd.s32 s2, s6  }
0x68: {  	(xrf0) =	vadd.scan.msk.s32 $0xffff, v2;
	p0 =	por !p0, !p0;
	s9 =	sand.u32 $0xFFFFFFF0, s29;
	s0 =	sand.u32 $0x70, s0  }
0x69: {  	[tilespmem:s1], [sflag:$0x1] =	stream.linear.gather [hbm4b:s2+s3], $0x10, $0x38;
	[tilespmem:$0x200] =	vst v63  }
0x6a: {  	s2 =	sadd.s32 s4, s10;
	s1 =	simm.s32 $0x1;
	p6 =	sne.s32 s17, s9  }
0x6b: {  	s10 =	sand.u32 $0xFFFFFC00, s25;
	s25 =	simm.s32 $0x1;
	s9 =	sand.u32 $0x70, s31  }
0x6c: {  	s31 =	rddreg [dreg:$0xb];
	s2 =	sor.u32 s26, s2;
	s1 =	simm.s32 @!p0 $0x0  }
0x6d: {  	p0 =	por !p5, !p6;
	s28 =	sor.u32 s9, s28;
	s9 =	rddreg [dreg:$0x1a]  }
0x6e: {  	v2, _, _ =	vpop (xrf0);
	s2 =	sshrl.u32 s2, $0x3;
	s1 =	ssub.s32 s8, s1;
	p0 =	por !p0, !p0  }
0x6f: {  	s8 =	rddreg [dreg:$0x19];
	s28 =	sshrl.u32 s28, $0x3;
	s24 =	spop (v2sf);
	(v2sf) =	vpush v2, $0xF  }
0x70: {  	s2 =	sadd.s32 s2, s7;
	s25 =	simm.s32 @!p0 $0x0;
	s28 =	sadd.s32 s28, s9  }
0x71: {  	[tilespmem:s13], [sflag:$0x1] =	stream.linear.gather [hbm4b:s2+s3], $0x10, $0x38;
	[tilespmem:$0x200] =	vst v63  }
0x72: {  	s2 =	sadd.s32 s4, s10;
	s13 =	sshra.s32 s29, $0x4;
	s29 =	sshll.u32 s1, $0x4  }
0x73: {  	s1 =	sshll.u32 s1, $0x7;
	s0 =	sor.u32 s0, s2;
	s26 =	ssub.s32 s13, s25  }
0x74: {  	s2 =	sshrl.u32 s30, $0x1C;
	s13 =	sshra.s32 s23, $0x1F;
	s1 =	sand.u32 $0xFFFFFC00, s1  }
0x75: {  	vm1 =	vcmask $0x2B30;
	s29 =	sand.u32 $0x70, s29;
	s0 =	sshrl.u32 s0, $0x3;
	s2 =	sadd.s32 s2, s15  }
0x76: {  	v2 =	vsel vm1, $0x0, v1;
	s30 =	sshrl.u32 s13, $0x1C;
	s1 =	sadd.s32 s4, s1;
	s0 =	sadd.s32 s0, s8  }
0x77: {  	(xrf0) =	vadd.scan.msk.s32 $0xffff, v2;
	s10 =	sand.u32 $0xFFFFFFF0, s2;
	s2 =	sshra.s32 s2, $0x4;
	s30 =	sadd.s32 s30, s23  }
0x78: {  	s1 =	sor.u32 s29, s1;
	s13 =	sshra.s32 s24, $0x1F;
	p5 =	slt.s32 s24, $0x1  }
0x79: {  	[tilespmem:s11], [sflag:$0x1] =	stream.linear.gather [hbm4b:s0+s3], $0x10, $0x38;
	[tilespmem:$0x200] =	vst v63  }
0x7a: {  	s0 =	sshll.u32 s26, $0x4;
	s11 =	rddreg [dreg:$0xa];
	p2 =	sne.s32 s15, s10  }
0x7b: {  	s10 =	sand.u32 $0xFFFFFFF0, s30;
	s1 =	sshrl.u32 s1, $0x3;
	s26 =	sshll.u32 s26, $0x7  }
0x7c: {  	p0 =	por !p1, !p2;
	p4 =	sne.s32 s23, s10;
	s10 =	rddreg [dreg:$0x1b]  }
0x7d: {  	[tilespmem:s11], [sflag:$0x1] =	stream.linear.gather [hbm4b:s28+s3], $0x10, $0x38;
	v2, _, _ =	vpop (xrf0);
	[tilespmem:$0x200] =	vst v63  }
0x7e: {  	s0 =	sand.u32 $0x70, s0;
	p0 =	por !p0, !p0;
	s25 =	spop (v2sf);
	(v2sf) =	vpush v2, $0xF  }
0x7f: {  	s28 =	simm.s32 $0x1;
	s1 =	sadd.s32 s1, s10;
	s11 =	sand.u32 $0xFFFFFC00, s26  }
0x80: {  	s28 =	simm.s32 @!p0 $0x0;
	p0 =	por !p3, !p4;
	s29 =	sadd.s32 s4, s11  }
0x81: {  	[tilespmem:s31], [sflag:$0x1] =	stream.linear.gather [hbm4b:s1+s3], $0x10, $0x38;
	[tilespmem:$0x200] =	vst v63  }
0x82: {  	s11 =	rddreg [dreg:$0x1c];
	s2 =	ssub.s32 s2, s28;
	s1 =	sshra.s32 s30, $0x4  }
0x83: {  	p0 =	por !p0, !p0;
	s28 =	simm.s32 $0x1;
	s0 =	sor.u32 s0, s29  }
0x84: {  	vm1 =	vcmask $0x2F34;
	s31 =	rddreg [dreg:$0xc];
	s30 =	sshrl.u32 s13, $0x1C;
	s28 =	simm.s32 @!p0 $0x0  }
0x85: {  	s0 =	sshrl.u32 s0, $0x3;
	s13 =	sadd.s32 s30, s24;
	s1 =	ssub.s32 s1, s28;
	v2 =	vsel vm1, $0x0, v1  }
0x86: {  	s0 =	sadd.s32 s0, s11;
	s30 =	sand.u32 $0xFFFFFFF0, s13;
	s28 =	sshra.s32 s13, $0x4;
	(xrf0) =	vadd.scan.msk.s32 $0xffff, v2  }
0x87: {  	[tilespmem:s31], [sflag:$0x1] =	stream.linear.gather [hbm4b:s0+s3], $0x10, $0x38;
	[tilespmem:$0x200] =	vst v63  }
0x88: {  	s31 =	sshll.u32 s2, $0x4;
	s29 =	sshll.u32 s1, $0x4;
	p6 =	sne.s32 s24, s30  }
0x89: {  	s2 =	sshll.u32 s2, $0x7;
	s30 =	simm.s32 $0x1;
	s1 =	sshll.u32 s1, $0x7  }
0x8a: {  	p0 =	por !p5, !p6;
	s2 =	sand.u32 $0xFFFFFC00, s2;
	s0 =	sand.u32 $0x70, s31  }
0x8b: {  	s1 =	sand.u32 $0xFFFFFC00, s1;
	s29 =	sand.u32 $0x70, s29;
	s2 =	sadd.s32 s4, s2  }
0x8c: {  	p0 =	por !p0, !p0;
	s1 =	sadd.s32 s12, s1;
	s0 =	sor.u32 s0, s2;
	v2, _, _ =	vpop (xrf0)  }
0x8d: {  	s2 =	rddreg [dreg:$0xd];
	s30 =	simm.s32 @!p0 $0x0;
	s26 =	spop (v2sf);
	(v2sf) =	vpush v2, $0xF  }
0x8e: {  	s1 =	sor.u32 s29, s1;
	s29 =	rddreg [dreg:$0xe];
	s13 =	sshra.s32 s25, $0x1F  }
0x8f: {  	s0 =	sshrl.u32 s0, $0x3;
	s31 =	sshrl.u32 s13, $0x1C;
	s13 =	rddreg [dreg:$0x1d]  }
0x90: {  	s30 =	ssub.s32 s28, s30;
	s1 =	sshrl.u32 s1, $0x3;
	s0 =	sadd.s32 s0, s13  }
0x91: {  	[tilespmem:s2], [sflag:$0x1] =	stream.linear.gather [hbm4b:s0+s3], $0x10, $0x38;
	[tilespmem:$0x200] =	vst v63  }
0x92: {  	s1 =	sadd.s32 s5, s1;
	p1 =	slt.s32 s25, $0x1;
	s2 =	sadd.s32 s31, s25  }
0x93: {  	vm1 =	vcmask $0x3338;
	s0 =	sshll.u32 s30, $0x4;
	s30 =	sshll.u32 s30, $0x7;
	s31 =	sand.u32 $0xFFFFFFF0, s2  }
0x94: {  	[tilespmem:s29], [sflag:$0x1] =	stream.linear.gather [hbm4b:s1+s3], $0x10, $0x38;
	v2 =	vsel vm1, $0x0, v1;
	[tilespmem:$0x200] =	vst v63  }
0x95: {  	s2 =	sshra.s32 s2, $0x4;
	p2 =	sne.s32 s25, s31;
	s29 =	sand.u32 $0xFFFFFC00, s30;
	(xrf0) =	vadd.scan.msk.s32 $0xffff, v2  }
0x96: {  	s0 =	sand.u32 $0x70, s0;
	p0 =	por !p1, !p2;
	s29 =	sadd.s32 s12, s29  }
0x97: {  	s31 =	simm.s32 $0x1;
	p0 =	por !p0, !p0;
	s0 =	sor.u32 s0, s29  }
0x98: {  	s31 =	simm.s32 @!p0 $0x0;
	s0 =	sshrl.u32 s0, $0x3;
	s5 =	sshra.s32 s26, $0x1F  }
0x99: {  	s2 =	ssub.s32 s2, s31;
	s0 =	sadd.s32 s0, s6;
	s1 =	sshrl.u32 s5, $0x1C  }
0x9a: {  	s30 =	sshll.u32 s2, $0x4;
	s5 =	rddreg [dreg:$0xf];
	s1 =	sadd.s32 s1, s26  }
0x9b: {  	[tilespmem:s5], [sflag:$0x1] =	stream.linear.gather [hbm4b:s0+s3], $0x10, $0x38;
	v2, _, _ =	vpop (xrf0);
	[tilespmem:$0x200] =	vst v63  }
0x9c: {  	s30 =	sand.u32 $0x70, s30;
	s31 =	sand.u32 $0xFFFFFFF0, s1;
	s28 =	spop (v2sf);
	(v2sf) =	vpush v2, $0xF  }
0x9d: {  	p3 =	slt.s32 s26, $0x1;
	p4 =	sne.s32 s26, s31;
	s31 =	sshll.u32 s2, $0x7  }
0x9e: {  	s0 =	sshra.s32 s1, $0x4;
	p0 =	por !p3, !p4;
	s1 =	sand.u32 $0xFFFFFC00, s31  }
0x9f: {  	s2 =	simm.s32 $0x1;
	p0 =	por !p0, !p0;
	s1 =	sadd.s32 s12, s1  }
0xa0: {  	s1 =	sor.u32 s30, s1;
	s2 =	simm.s32 @!p0 $0x0  }
0xa1: {  	s1 =	sshrl.u32 s1, $0x3;
	s0 =	ssub.s32 s0, s2;
	s5 =	sshra.s32 s28, $0x1F  }
0xa2: {  	vm1 =	vcmask $0x373C;
	s1 =	sadd.s32 s1, s7;
	s6 =	sshrl.u32 s5, $0x1C;
	s5 =	rddreg [dreg:$0x10]  }
0xa3: {  	v2 =	vsel vm1, $0x0, v1;
	[tilespmem:s5], [sflag:$0x1] =	stream.linear.gather [hbm4b:s1+s3], $0x10, $0x38;
	[tilespmem:$0x200] =	vst v63  }
0xa4: {  	(xrf0) =	vadd.scan.msk.s32 $0xffff, v2;
	s5 =	sshll.u32 s0, $0x7  }
0xa5: {  	s31 =	sadd.s32 s6, s28;
	s0 =	sshll.u32 s0, $0x4;
	s1 =	sand.u32 $0xFFFFFC00, s5  }
0xa6: {  	s6 =	sand.u32 $0xFFFFFFF0, s31;
	s0 =	sand.u32 $0x70, s0;
	s1 =	sadd.s32 s12, s1  }
0xa7: {  	p5 =	slt.s32 s28, $0x1;
	p6 =	sne.s32 s28, s6;
	s0 =	sor.u32 s0, s1  }
0xa8: {  	s2 =	simm.s32 $0x1;
	p0 =	por !p5, !p6;
	s0 =	sshrl.u32 s0, $0x3  }
0xa9: {  	s6 =	rddreg [dreg:$0x11];
	p0 =	por !p0, !p0;
	s0 =	sadd.s32 s0, s8  }
0xaa: {  	v2, _, _ =	vpop (xrf0);
	[tilespmem:s6], [sflag:$0x1] =	stream.linear.gather [hbm4b:s0+s3], $0x10, $0x38;
	[tilespmem:$0x200] =	vst v63  }
0xab: {  	s7 =	sshra.s32 s31, $0x4;
	s2 =	simm.s32 @!p0 $0x0;
	s29 =	spop (v2sf);
	(v2sf) =	vpush v2, $0xF  }
0xac: {  	s2 =	ssub.s32 s7, s2;
	s31 =	sshra.s32 s29, $0x1F  }
0xad: {  	s5 =	sshll.u32 s2, $0x7;
	s1 =	sshrl.u32 s31, $0x1C  }
0xae: {  	s2 =	sshll.u32 s2, $0x4;
	s0 =	sadd.s32 s1, s29;
	s1 =	sand.u32 $0xFFFFFC00, s5  }
0xaf: {  	s2 =	sand.u32 $0x70, s2;
	s1 =	sadd.s32 s12, s1  }
0xb0: {  	s6 =	sand.u32 $0xFFFFFFF0, s0;
	s1 =	sor.u32 s2, s1  }
0xb1: {  	p1 =	slt.s32 s29, $0x1;
	p2 =	sne.s32 s29, s6;
	s1 =	sshrl.u32 s1, $0x3  }
0xb2: {  	s7 =	rddreg [dreg:$0x12];
	p0 =	por !p1, !p2;
	s1 =	sadd.s32 s1, s9  }
0xb3: {  	v1 =	vsel vm15, $0x0, v1;
	[tilespmem:s7], [sflag:$0x1] =	stream.linear.gather [hbm4b:s1+s3], $0x10, $0x38;
	[tilespmem:$0x200] =	vst v63  }
0xb4: {  	(xrf0) =	vadd.scan.msk.s32 $0xffff, v1;
	p0 =	por !p0, !p0;
	s1 =	simm.s32 $0x1  }
0xb5: {  	s0 =	sshra.s32 s0, $0x4;
	s1 =	simm.s32 @!p0 $0x0  }
0xb6: {  	s0 =	ssub.s32 s0, s1  }
0xb7: {  	s6 =	sshll.u32 s0, $0x7  }
0xb8: {  	s0 =	sshll.u32 s0, $0x4;
	s1 =	sand.u32 $0xFFFFFC00, s6  }
0xb9: {  	s0 =	sand.u32 $0x70, s0;
	s1 =	sadd.s32 s12, s1  }
0xba: {  	v1, _, _ =	vpop (xrf0);
	s0 =	sor.u32 s0, s1;
	s30 =	spop (v2sf)  }
0xbb: {  	(v2sf) =	vpush v1, $0xF;
	s0 =	sshrl.u32 s0, $0x3;
	s8 =	sshra.s32 s30, $0x1F  }
0xbc: {  	s7 =	rddreg [dreg:$0x13];
	s0 =	sadd.s32 s0, s10;
	s31 =	sshrl.u32 s8, $0x1C  }
0xbd: {  	[tilespmem:s7], [sflag:$0x1] =	stream.linear.gather [hbm4b:s0+s3], $0x10, $0x38;
	[tilespmem:$0x200] =	vst v63  }
0xbe: {  	s2 =	sadd.s32 s31, s30  }
0xbf: {  	s5 =	sand.u32 $0xFFFFFFF0, s2  }
0xc0: {  	p3 =	slt.s32 s30, $0x1;
	p4 =	sne.s32 s30, s5  }
0xc1: {  	p0 =	por !p3, !p4  }
0xc2: {  	s31 =	simm.s32 $0x1;
	p0 =	por !p0, !p0  }
0xc3: {  	s2 =	sshra.s32 s2, $0x4;
	s31 =	simm.s32 @!p0 $0x0  }
0xc4: {  	s2 =	ssub.s32 s2, s31  }
0xc5: {  	s8 =	sshll.u32 s2, $0x7  }
0xc6: {  	s9 =	sshll.u32 s2, $0x4;
	s0 =	sand.u32 $0xFFFFFC00, s8  }
0xc7: {  	s1 =	sand.u32 $0x70, s9;
	s0 =	sadd.s32 s12, s0  }
0xc8: {  	s0 =	sor.u32 s1, s0  }
0xc9: {  	s0 =	sshrl.u32 s0, $0x3  }
0xca: {  	s10 =	rddreg [dreg:$0x14];
	s2 =	spop (v2sf);
	s0 =	sadd.s32 s0, s11  }
0xcb: {  	[tilespmem:s10], [sflag:$0x1] =	stream.linear.gather [hbm4b:s0+s3], $0x10, $0x38;
	[tilespmem:$0x200] =	vst v63  }
0xcc: {  	s5 =	sshra.s32 s2, $0x1F  }
0xcd: {  	s0 =	sshrl.u32 s5, $0x1C  }
0xce: {  	s0 =	sadd.s32 s0, s2  }
0xcf: {  	s6 =	sand.u32 $0xFFFFFFF0, s0  }
0xd0: {  	p5 =	slt.s32 s2, $0x1;
	p6 =	sne.s32 s2, s6  }
0xd1: {  	p0 =	por !p5, !p6  }
0xd2: {  	s1 =	simm.s32 $0x1;
	p0 =	por !p0, !p0  }
0xd3: {  	s0 =	sshra.s32 s0, $0x4;
	s1 =	simm.s32 @!p0 $0x0  }
0xd4: {  	s0 =	ssub.s32 s0, s1  }
0xd5: {  	s1 =	sshll.u32 s0, $0x7  }
0xd6: {  	s0 =	sshll.u32 s0, $0x4;
	s1 =	sand.u32 $0xFFFFFC00, s1  }
0xd7: {  	s0 =	sand.u32 $0x70, s0;
	s1 =	sadd.s32 s12, s1  }
0xd8: {  	s0 =	sor.u32 s0, s1  }
0xd9: {  	s0 =	sshrl.u32 s0, $0x3  }
0xda: {  	s7 =	rddreg [dreg:$0x15];
	s0 =	sadd.s32 s0, s13  }
0xdb: {  	[tilespmem:s7], [sflag:$0x1] =	stream.linear.gather [hbm4b:s0+s3], $0x10, $0x38;
	[tilespmem:$0x200] =	vst v63  }
0xdc: {  	_ =	swait.ge [sflag:s14], $0x10  }
0xdd: {  	[sflag:s14] =	ssyncset.done $0x0  }
0xde: {  	[sflag:s14] =	ssyncadd.s32 $0xFFFFFFF0  }
0xdf: {  	_ =	swait.ge [sflag:s14], $0x10  }
0xe0: {  	[sflag:s14] =	ssyncset.done $0x0  }
0xe1: {  	[sflag:s14] =	ssyncadd.s32 $0xFFFFFFF0  }
0xe2: {  	_ =	swait.ge [sflag:s14], $0x10  }
0xe3: {  	[sflag:s14] =	ssyncset.done $0x0  }
0xe4: {  	[sflag:s14] =	ssyncadd.s32 $0xFFFFFFF0  }
0xe5: {  	_ =	swait.ge [sflag:s14], $0x10  }
0xe6: {  	[sflag:s14] =	ssyncset.done $0x0  }
0xe7: {  	[sflag:s14] =	ssyncadd.s32 $0xFFFFFFF0  }
0xe8: {  	_ =	swait.ge [sflag:s14], $0x10  }
0xe9: {  	[sflag:s14] =	ssyncset.done $0x0  }
0xea: {  	[sflag:s14] =	ssyncadd.s32 $0xFFFFFFF0  }
0xeb: {  	_ =	swait.ge [sflag:s14], $0x10  }
0xec: {  	[sflag:s14] =	ssyncset.done $0x0  }
0xed: {  	[sflag:s14] =	ssyncadd.s32 $0xFFFFFFF0  }
0xee: {  	_ =	swait.ge [sflag:s14], $0x10  }
0xef: {  	[sflag:s14] =	ssyncset.done $0x0  }
0xf0: {  	[sflag:s14] =	ssyncadd.s32 $0xFFFFFFF0  }
0xf1: {  	_ =	swait.ge [sflag:s14], $0x10  }
0xf2: {  	[sflag:s14] =	ssyncset.done $0x0  }
0xf3: {  	[sflag:s14] =	ssyncadd.s32 $0xFFFFFFF0  }
0xf4: {  	_ =	swait.ge [sflag:s14], $0x10  }
0xf5: {  	[sflag:s14] =	ssyncset.done $0x0  }
0xf6: {  	[sflag:s14] =	ssyncadd.s32 $0xFFFFFFF0  }
0xf7: {  	_ =	swait.ge [sflag:s14], $0x10  }
0xf8: {  	[sflag:s14] =	ssyncset.done $0x0  }
0xf9: {  	[sflag:s14] =	ssyncadd.s32 $0xFFFFFFF0  }
0xfa: {  	_ =	swait.ge [sflag:s14], $0x10  }
0xfb: {  	[sflag:s14] =	ssyncset.done $0x0  }
0xfc: {  	[sflag:s14] =	ssyncadd.s32 $0xFFFFFFF0  }
0xfd: {  	_ =	swait.ge [sflag:s14], $0x10  }
0xfe: {  	[sflag:s14] =	ssyncset.done $0x0  }
0xff: {  	[sflag:s14] =	ssyncadd.s32 $0xFFFFFFF0  }
0x100: {  	_ =	swait.ge [sflag:s14], $0x10  }
0x101: {  	[sflag:s14] =	ssyncset.done $0x0  }
0x102: {  	[sflag:s14] =	ssyncadd.s32 $0xFFFFFFF0  }
0x103: {  	_ =	swait.ge [sflag:s14], $0x10  }
0x104: {  	[sflag:s14] =	ssyncset.done $0x0  }
0x105: {  	[sflag:s14] =	ssyncadd.s32 $0xFFFFFFF0  }
0x106: {  	_ =	swait.ge [sflag:s14], $0x10  }
0x107: {  	[sflag:s14] =	ssyncset.done $0x0  }
0x108: {  	[sflag:s14] =	ssyncadd.s32 $0xFFFFFFF0  }
0x109: {  	_ =	swait.ge [sflag:s14], $0x10  }
0x10a: {  	[sflag:s14] =	ssyncset.done $0x0  }
0x10b: {  	[sflag:s14] =	ssyncadd.s32 $0xFFFFFFF0  }
0x10c: {  	v1 =	vld [tilespmem:$0x80];
	_ =	sdelay $0x1  }
0x10d: {  	s8 =	sand.u32 $0xF, s22  }
0x10e: {  	v3 =	vmov s8  }
0x10f: {  	vm1 =	veq.s32 v3, v0;
	v2 =	vld [tilespmem:$0x90]  }
0x110: {  	v3 =	vld [tilespmem:$0xA0];
	v1 =	vnsel vm1, $0x0, v1  }
0x111: {  	s9 =	sand.u32 $0xF, s21;
	(xrf2) =	vadd.scan.msk.f32 $0xffff, v1  }
0x112: {  	v4 =	vmov s9;
	s10 =	sand.u32 $0xF, s20  }
0x113: {  	v36 =	vmov s10;
	vm1 =	veq.s32 v4, v0;
	v1 =	vld [tilespmem:$0xB0]  }
0x114: {  	v2 =	vnsel vm1, $0x0, v2;
	vm1 =	veq.s32 v36, v0  }
0x115: {  	s11 =	sand.u32 $0xF, s19;
	(xrf2) =	vadd.scan.msk.f32 $0xffff, v2;
	v2 =	vld [tilespmem:$0xC0];
	v3 =	vnsel vm1, $0x0, v3  }
0x116: {  	v37 =	vmov s11;
	(xrf2) =	vadd.scan.msk.f32 $0xffff, v3;
	v3 =	vld [tilespmem:$0xD0]  }
0x117: {  	s13 =	sand.u32 $0xF, s18;
	vm1 =	veq.s32 v37, v0  }
0x118: {  	s16 =	sand.u32 $0xF, s16;
	v38 =	vmov s13;
	v1 =	vnsel vm1, $0x0, v1  }
0x119: {  	vm1 =	veq.s32 v38, v0;
	(xrf2) =	vadd.scan.msk.f32 $0xffff, v1;
	v1 =	vmov s16  }
0x11a: {  	v2 =	vnsel vm1, $0x0, v2;
	vm1 =	veq.s32 v1, v0  }
0x11b: {  	v5 =	vld [tilespmem:$0xE0];
	(xrf2) =	vadd.scan.msk.f32 $0xffff, v2;
	v2 =	vnsel vm1, $0x0, v3;
	v3, _, _ =	vpop (xrf2)  }
0x11c: {  	v3 =	vbroadcast v3, $0xF  }
0x11d: {  	s18 =	sand.u32 $0xF, s17;
	v1 =	vld [tilespmem:$0xF0]  }
0x11e: {  	v39 =	vmov s18;
	v3 =	vnsel vm0, $0x0, v3  }
0x11f: {  	s19 =	sand.u32 $0xF, s15;
	vm1 =	veq.s32 v39, v0;
	(xrf2) =	vadd.scan.msk.f32 $0xffff, v2;
	v6, _, _ =	vpop (xrf2);
	v3 =	vadd.f32 $0.0e+00, v3  }
0x120: {  	v41 =	vmov s19;
	s20 =	sand.u32 $0xF, s23;
	v2 =	vnsel vm1, $0x0, v5;
	v6 =	vbroadcast v6, $0xF  }
0x121: {  	vm2 =	vcmask $0x704;
	vm1 =	veq.s32 v41, v0;
	(xrf2) =	vadd.scan.msk.f32 $0xffff, v2;
	v2 =	vmov s20  }
0x122: {  	v1 =	vnsel vm1, $0x0, v1;
	v8, _, _ =	vpop (xrf2);
	vm1 =	veq.s32 v2, v0;
	v2 =	vnsel vm2, $0x0, v6  }
0x123: {  	v2 =	vadd.f32 v2, v3;
	v3, _, _ =	vpop (xrf2)  }
0x124: {  	v40 =	vld [tilespmem:$0x100];
	v43 =	vbroadcast v8, $0xF;
	v3 =	vbroadcast v3, $0xF  }
0x125: {  	v42 =	vld [tilespmem:$0x110];
	(xrf2) =	vadd.scan.msk.f32 $0xffff, v1;
	vm2 =	vcmask $0xB08  }
0x126: {  	v6 =	vnsel vm2, $0x0, v43;
	v3 =	vnsel vm3, $0x0, v3  }
0x127: {  	s21 =	sand.u32 $0xF, s24;
	v2 =	vadd.f32 v6, v2  }
0x128: {  	v7 =	vmov s21;
	v47, _, _ =	vpop (xrf2)  }
0x129: {  	v1 =	vld [tilespmem:$0x120];
	v4 =	vnsel vm1, $0x0, v40;
	vm1 =	veq.s32 v7, v0;
	v2 =	vadd.f32 v3, v2;
	v3, _, _ =	vpop (xrf2)  }
0x12a: {  	(xrf2) =	vadd.scan.msk.f32 $0xffff, v4;
	v5 =	vnsel vm1, $0x0, v42;
	v6 =	vbroadcast v47, $0xF;
	v3 =	vbroadcast v3, $0xF  }
0x12b: {  	s22 =	sand.u32 $0xF, s25;
	v45 =	vld [tilespmem:$0x130];
	(xrf2) =	vadd.scan.msk.f32 $0xffff, v5  }
0x12c: {  	v44 =	vmov s22;
	v6 =	vnsel vm4, $0x0, v6;
	v3 =	vnsel vm5, $0x0, v3  }
0x12d: {  	s23 =	sand.u32 $0xF, s26;
	v48 =	vld [tilespmem:$0x140];
	vm1 =	veq.s32 v44, v0;
	v2 =	vadd.f32 v6, v2  }
0x12e: {  	s24 =	sand.u32 $0xF, s28;
	v46 =	vmov s23;
	v1 =	vnsel vm1, $0x0, v1;
	v50, _, _ =	vpop (xrf2)  }
0x12f: {  	v49 =	vmov s24;
	vm1 =	veq.s32 v46, v0;
	(xrf2) =	vadd.scan.msk.f32 $0xffff, v1;
	v1 =	vld [tilespmem:$0x150];
	v2 =	vadd.f32 v3, v2;
	v3, _, _ =	vpop (xrf2)  }
0x130: {  	s25 =	sand.u32 $0xF, s29;
	v4 =	vnsel vm1, $0x0, v45;
	v51 =	vbroadcast v50, $0xF;
	v3 =	vbroadcast v3, $0xF  }
0x131: {  	v53 =	vmov s25;
	v52 =	vld [tilespmem:$0x160];
	vm1 =	veq.s32 v49, v0;
	(xrf2) =	vadd.scan.msk.f32 $0xffff, v4  }
0x132: {  	v5 =	vnsel vm1, $0x0, v48;
	v54 =	vnsel vm6, $0x0, v51;
	v3 =	vnsel vm7, $0x0, v3  }
0x133: {  	s26 =	sand.u32 $0xF, s30;
	vm1 =	veq.s32 v53, v0;
	(xrf2) =	vadd.scan.msk.f32 $0xffff, v5;
	v2 =	vadd.f32 v54, v2  }
0x134: {  	v55 =	vmov s26;
	v1 =	vnsel vm1, $0x0, v1;
	v56, _, _ =	vpop (xrf2)  }
0x135: {  	vm1 =	veq.s32 v55, v0;
	(xrf2) =	vadd.scan.msk.f32 $0xffff, v1;
	v2 =	vadd.f32 v3, v2;
	v3, _, _ =	vpop (xrf2)  }
0x136: {  	v4 =	vnsel vm1, $0x0, v52;
	v5 =	vbroadcast v56, $0xF;
	v3 =	vbroadcast v3, $0xF  }
0x137: {  	v1 =	vld [tilespmem:$0x170];
	(xrf2) =	vadd.scan.msk.f32 $0xffff, v4  }
0x138: {  	v57 =	vnsel vm8, $0x0, v5;
	v3 =	vnsel vm9, $0x0, v3  }
0x139: {  	s28 =	sand.u32 $0xF, s2;
	v2 =	vadd.f32 v57, v2  }
0x13a: {  	v58 =	vmov s28;
	v59, _, _ =	vpop (xrf2)  }
0x13b: {  	vm1 =	veq.s32 v58, v0;
	v60 =	vbroadcast v59, $0xF;
	v2 =	vadd.f32 v3, v2;
	v3, _, _ =	vpop (xrf2)  }
0x13c: {  	v1 =	vnsel vm1, $0x0, v1;
	v3 =	vbroadcast v3, $0xF  }
0x13d: {  	(xrf2) =	vadd.scan.msk.f32 $0xffff, v1;
	v1 =	vnsel vm10, $0x0, v60;
	v61, _, _ =	vpop (xrf2)  }
0x13e: {  	v1 =	vadd.f32 v1, v2;
	v2 =	vnsel vm11, $0x0, v3;
	v3 =	vbroadcast v61, $0xF  }
0x13f: {  	v62, _, _ =	vpop (xrf2)  }
0x140: {  	v1 =	vadd.f32 v2, v1;
	v2 =	vnsel vm12, $0x0, v3;
	v3 =	vbroadcast v62, $0xF  }
0x141: {  	v63, _, _ =	vpop (xrf2)  }
0x142: {  	v1 =	vadd.f32 v2, v1;
	v2 =	vnsel vm13, $0x0, v3;
	v3 =	vbroadcast v63, $0xF;
	_ =	sdelay $0x1  }
0x143: {  	v1 =	vadd.f32 v2, v1;
	v2 =	vnsel vm14, $0x0, v3;
	_ =	sdelay $0x2  }
0x144: {  	v1 =	vadd.f32 v2, v1;
	v2, _, _ =	vpop (xrf2)  }
0x145: {  	v2 =	vsel vm15, $0x0, v2  }
0x146: {  	s31 =	rddreg [dreg:$0x1e];
	v1 =	vadd.f32 v1, v2  }
0x147: {  	s29 =	rddreg [dreg:$0x4];
	p0 =	sne.s32 s31, $0x1  }
.Ltmp1:
0x148: {  	s30 =	rddreg [dreg:$0x16];
	[tilespmem:$0x180] =	vst v1;
	(pc) =	sbr.rel @p0 .LBB2_2-.Ltmp1, $4  }
0x149: {  	[hbm4b:s29+s3] =	stream.linear.scatter [tilespmem:s30], [sflag:$0x1], $0x10, $0x38;
	[tilespmem:$0x200] =	vst v63  }
0x14a: {  	_ =	swait.ge [sflag:s14], $0x10  }
0x14b: {  	[sflag:s14] =	ssyncset.done $0x0  }
0x14c: {  	s0 =	sadd.s32 $0xFFFFFFFF, s31;
	[sflag:s14] =	ssyncadd.s32 $0xFFFFFFF0  }
.LBB2_3:
0x14d: {  	_ =	sfence.sel $0x180000  }
0x14e: {  	[bflag:$0x0] =	sbarrier.arrive $0xFFFF  }
0x14f: {  	_ =	strace $0x90000047  }
0x150: {  	s0 =	stileid.u32;
	[bflag:$0x2] =	sbarrier.arrive $0xFFFF  }
0x151: {  	p0 =	sne.s32 s0, $0x0;
	s0 =	rddreg [dreg:$0x3]  }
0x152: {  	s0 =	sadd.s32 @!p0 $0x100000, s0  }
0x153: {  	[sflag:s0] =	ssyncadd.tile.s32 @!p0 $0x1;
	_ =	shalt  }
.Lfunc_end2:
_tile_overlayer_lowered:
.L_overlay_start_2:
0x154: {  	(tag) =	ssettag $0x2  }
0x155: {  	s0 =	rddreg [dreg:$0x0];
	s2 =	stileid.u32  }
0x156: {  	s1 =	rddreg [dreg:$0x1];
	p0 =	sne.s32 s2, $0x0  }
0x157: {  	s3 =	rddreg [dreg:$0x2];
	[bflag:$0x3] =	sbarrier.arrive $0xFFFF;
	s2 =	simm.s32 @!p0 $0x1C02  }
0x158: {  	[timem:s3], [sflag:s2] =	dma.local @!p0 [hbm:s0], s1  }
0x159: {  	s0 =	simm.s32 @!p0 $0x2  }
0x15a: {  	_ =	swait.ge @!p0 [sflag:s0], s1  }
0x15b: {  	s1 =	ssub.s32 @!p0 $0x0, s1;
	[sflag:s0] =	ssyncset.done @!p0 $0x0  }
0x15c: {  	[sflag:s0] =	ssyncadd.s32 @!p0 s1  }
0x15d: {  	[bflag:$0x3] =	sbarrier.arrive $0xFFFF  }
0x15e: {  	_ =	shalt  }

</sc_bundles>
